<compile_context>
chip_gen: v7x
topology: tpu7x:2x2x1
jax: 0.10.2.dev20260603
libtpu: 0.0.44.dev20260713+nightly
codegen_flags: <defaults>
</compile_context>

<pallas_src>
import functools

import jax
import jax.numpy as jnp
import numpy as np
from jax import lax
from jax.experimental import pallas as pl
from jax.experimental.pallas import tpu as pltpu
from jax.experimental.pallas import tpu_sc as plsc

N = 10000
E = 320000
D = 128
H = 4
EMB = 8
HID = 64

NC = 2
NS = 16
NW = NC * NS
MICRO = 80
CH = 1
EC = E // CH
RPC = EC // (NW * MICRO)
STRIPE = 632
NPAD = NS * STRIPE

BE = 1280
BN = 400

_HIGH = lax.Precision.HIGHEST
NBUF = 4


def _gather_body(nodef, src2, dst2, xs, xd, idx_s, idx_d, rows_a, rows_b,
                 sem_a, sem_b):
    c = lax.axis_index("c")
    s = lax.axis_index("s")
    wid = s * NC + c
    rowbase = wid * RPC
    pltpu.sync_copy(src2.at[wid], idx_s)
    pltpu.sync_copy(dst2.at[wid], idx_d)

    for b in range(NBUF - 1):
        pltpu.async_copy(nodef.at[idx_s.at[b]], rows_a.at[b], sem_a.at[b])
        pltpu.async_copy(nodef.at[idx_d.at[b]], rows_b.at[b], sem_b.at[b])

    def body(j, carry):
        p = lax.rem(j, NBUF)
        jn = j + NBUF - 1
        pn = lax.rem(jn, NBUF)

        @pl.when(jn < RPC)
        def _():
            pltpu.async_copy(nodef.at[idx_s.at[jn]], rows_a.at[pn],
                             sem_a.at[pn])
            pltpu.async_copy(nodef.at[idx_d.at[jn]], rows_b.at[pn],
                             sem_b.at[pn])

        e0 = (rowbase + j) * MICRO
        pltpu.make_async_copy(nodef.at[idx_s.at[j]], rows_a.at[p],
                              sem_a.at[p]).wait()
        pltpu.sync_copy(rows_a.at[p], xs.at[pl.ds(e0, MICRO)])
        pltpu.make_async_copy(nodef.at[idx_d.at[j]], rows_b.at[p],
                              sem_b.at[p]).wait()
        pltpu.sync_copy(rows_b.at[p], xd.at[pl.ds(e0, MICRO)])
        return carry

    lax.fori_loop(0, RPC, body, 0)


def _sc_gather(node_f, src2, dst2):
    mesh = plsc.VectorSubcoreMesh(core_axis_name="c", subcore_axis_name="s")
    k = functools.partial(
        pl.kernel,
        mesh=mesh,
        out_type=[
            jax.ShapeDtypeStruct((EC, D), jnp.float32),
            jax.ShapeDtypeStruct((EC, D), jnp.float32),
        ],
        scratch_types=[
            pltpu.VMEM((RPC, MICRO), jnp.int32),
            pltpu.VMEM((RPC, MICRO), jnp.int32),
            pltpu.VMEM((NBUF, MICRO, D), jnp.float32),
            pltpu.VMEM((NBUF, MICRO, D), jnp.float32),
            pltpu.SemaphoreType.DMA((NBUF,)),
            pltpu.SemaphoreType.DMA((NBUF,)),
        ],
    )(_gather_body)
    return k(node_f, src2, dst2)


def _make_scatter_body(width):
    def body_fn(dst2, vals, init, out, idx_d, vbuf0, vbuf1, acc, sem0, sem1):
        c = lax.axis_index("c")
        s = lax.axis_index("s")
        wid = s * NC + c
        rowbase = wid * RPC
        n0 = s * STRIPE
        pltpu.sync_copy(init.at[pl.ds(n0, STRIPE)], acc.at[pl.ds(n0, STRIPE)])
        pltpu.sync_copy(dst2.at[wid], idx_d)
        plsc.subcore_barrier()

        def load(j, buf, sem):
            pltpu.async_copy(vals.at[pl.ds((rowbase + j) * MICRO, MICRO)],
                             buf, sem)

        def wait(j, buf, sem):
            pltpu.make_async_copy(
                vals.at[pl.ds((rowbase + j) * MICRO, MICRO)], buf, sem).wait()

        load(0, vbuf0, sem0)

        def body(t, carry):
            j0 = 2 * t
            j1 = j0 + 1
            load(j1, vbuf1, sem1)
            wait(j0, vbuf0, sem0)
            pltpu.sync_copy(vbuf0, acc.at[idx_d.at[j0]], add=True)
            load(j0 + 2, vbuf0, sem0)
            wait(j1, vbuf1, sem1)
            pltpu.sync_copy(vbuf1, acc.at[idx_d.at[j1]], add=True)
            return carry

        lax.fori_loop(0, (RPC - 1) // 2, body, 0)
        wait(RPC - 1, vbuf0, sem0)
        pltpu.sync_copy(vbuf0, acc.at[idx_d.at[RPC - 1]], add=True)

        plsc.subcore_barrier()
        pltpu.sync_copy(acc.at[pl.ds(n0, STRIPE)],
                        out.at[c, pl.ds(n0, STRIPE)])

    return body_fn


def _sc_scatter_one(dst2, vals, init, width):
    mesh = plsc.VectorSubcoreMesh(core_axis_name="c", subcore_axis_name="s")
    k = functools.partial(
        pl.kernel,
        mesh=mesh,
        out_type=jax.ShapeDtypeStruct((NC, NPAD, width), jnp.float32),
        scratch_types=[
            pltpu.VMEM((RPC, MICRO), jnp.int32),
            pltpu.VMEM((MICRO, width), jnp.float32),
            pltpu.VMEM((MICRO, width), jnp.float32),
            pltpu.VMEM_SHARED((NPAD, width), jnp.float32),
            pltpu.SemaphoreType.DMA,
            pltpu.SemaphoreType.DMA,
        ],
    )(_make_scatter_body(width))
    return k(dst2, vals, init)


def _edge_body(emb_ref, cut_ref, attr_ref, xs_ref, xd_ref, w1_ref, w2_ref,
               w3_ref, wq_ref, ered_ref, exp_ref, expv_ref, evp_ref):
    bf = jnp.bfloat16
    f32 = jnp.float32
    emb = emb_ref[...].astype(bf)
    h1 = jnp.maximum(jnp.dot(emb, w1_ref[...],
                             preferred_element_type=f32), 0.0)
    h2 = jnp.maximum(jnp.dot(h1.astype(bf), w2_ref[...],
                             preferred_element_type=f32), 0.0)
    wc = jnp.dot(h2.astype(bf), w3_ref[...], preferred_element_type=f32)
    wck = wc[:, :D]
    wcv = wc[:, D:]

    xsa = xs_ref[...] * attr_ref[...]
    xd = xd_ref[...]
    ek = wck * xsa
    q = jnp.dot(ek.astype(bf), wq_ref[...],
                preferred_element_type=f32)
    xdt = jnp.concatenate([xd, xd, xd, xd], axis=1)
    dot8 = jnp.dot((q * xdt).astype(bf), ered_ref[...],
                   preferred_element_type=f32)
    expv = cut_ref[...] * jnp.exp(dot8)
    expv_ref[...] = expv
    s8 = jnp.sqrt(jnp.maximum(expv, 0.0)).astype(bf)
    sexp = jnp.dot(s8, exp_ref[...], preferred_element_type=f32)
    evp_ref[...] = wcv * xsa * sexp


def _tc_edge(emb, cut, attr, xs, xd, w1, w2, w3, wq, ered, expand8):
    grid = (EC // BE,)
    full = lambda shape: pl.BlockSpec(shape, lambda i: (0, 0))
    return pl.pallas_call(
        _edge_body,
        grid=grid,
        in_specs=[
            pl.BlockSpec((BE, EMB), lambda i: (i, 0)),
            pl.BlockSpec((BE, 1), lambda i: (i, 0)),
            pl.BlockSpec((BE, 1), lambda i: (i, 0)),
            pl.BlockSpec((BE, D), lambda i: (i, 0)),
            pl.BlockSpec((BE, D), lambda i: (i, 0)),
            full((EMB, 2 * HID)),
            full((2 * HID, 2 * HID)),
            full((2 * HID, 2 * D)),
            full((D, H * D)),
            full((H * D, 8)),
            full((8, D)),
        ],
        out_specs=[
            pl.BlockSpec((BE, 8), lambda i: (i, 0)),
            pl.BlockSpec((BE, D), lambda i: (i, 0)),
        ],
        out_shape=[
            jax.ShapeDtypeStruct((EC, 8), jnp.float32),
            jax.ShapeDtypeStruct((EC, D), jnp.float32),
        ],
    )(emb, cut, attr, xs, xd, w1, w2, w3, wq, ered, expand8)


def _final_body(z2_ref, no2_ref, wlin_ref, exp_ref, out_ref):
    z = z2_ref[0] + z2_ref[1]
    z = jnp.where(z == 0.0, 1.0, z)
    rs = lax.rsqrt(z)
    zfac = jnp.dot(rs, exp_ref[...], precision=_HIGH)
    no = no2_ref[0] + no2_ref[1]
    out_ref[...] = jnp.dot(no * zfac, wlin_ref[...], precision=_HIGH)


def _tc_final(z2, no2, wlin, expand8):
    grid = (N // BN,)
    return pl.pallas_call(
        _final_body,
        grid=grid,
        in_specs=[
            pl.BlockSpec((NC, BN, 8), lambda i: (0, i, 0)),
            pl.BlockSpec((NC, BN, D), lambda i: (0, i, 0)),
            pl.BlockSpec((D, D), lambda i: (0, 0)),
            pl.BlockSpec((8, D), lambda i: (0, 0)),
        ],
        out_specs=pl.BlockSpec((BN, D), lambda i: (i, 0)),
        out_shape=jax.ShapeDtypeStruct((N, D), jnp.float32),
    )(z2, no2, wlin, expand8)


def kernel(edge_src, edge_dst, edge_scalar_attr, edge_attr, edge_weight_cutoff,
           node_f, W1k, W2k, wk, Wdot, W1v, W2v, wv, Wlin):
    bf = jnp.bfloat16
    w1 = (jnp.concatenate([W1k, W1v], axis=1) / np.sqrt(EMB)).astype(bf)
    zh = jnp.zeros((HID, HID), jnp.float32)
    w2 = (jnp.block([[W2k, zh], [zh, W2v]]) / np.sqrt(HID)).astype(bf)
    zd = jnp.zeros((HID, D), jnp.float32)
    w3 = (jnp.block([[wk[:, :, 0], zd], [zd, wv[:, :, 0]]]) / np.sqrt(HID)).astype(bf)
    wq = (jnp.transpose(Wdot, (2, 0, 1)).reshape(D, H * D) / D).astype(bf)
    wlin = Wlin / np.sqrt(D)
    expand8 = (jnp.arange(8, dtype=jnp.int32)[:, None]
               == (jnp.arange(D, dtype=jnp.int32)[None, :] // (D // H))
               ).astype(jnp.float32)
    ered = (jnp.arange(H * D, dtype=jnp.int32)[:, None] // D
            == jnp.arange(8, dtype=jnp.int32)[None, :]).astype(bf)
    e8b = expand8.astype(bf)

    cut = edge_weight_cutoff.reshape(E, 1)
    zset = jnp.zeros((NPAD, 8), jnp.float32)
    noset = jnp.zeros((NPAD, D), jnp.float32)

    src2 = edge_src.reshape(NW, RPC, MICRO)
    dst2 = edge_dst.reshape(NW, RPC, MICRO)
    xs, xd = _sc_gather(node_f, src2, dst2)
    expv, evp = _tc_edge(edge_scalar_attr, cut, edge_attr, xs, xd,
                         w1, w2, w3, wq, ered, e8b)
    no2 = _sc_scatter_one(dst2, evp, noset, D)
    z2 = _sc_scatter_one(dst2, expv, zset, 8)
    return _tc_final(z2, no2, wlin, expand8)

# --- scband reference (transcript-rebuilt; emitter-appended) ---
"""Pipeline reference for scband-transformer-48223892799998 (READ-ONLY COPY).

The authoritative reference and input builder live on the scoring server;
editing this copy changes nothing except your own understanding.
"""

import jax, jax.numpy as jnp
import numpy as np

N = 10000
E = 320000
D = 128
H = 4
EMB = 8
HID = 64


def setup_inputs(seed: int = 0) -> dict:
    key = jax.random.key(seed)
    ks = jax.random.split(key, 13)
    inp = {}
    inp["edge_src"] = jax.random.randint(ks[0], (E,), 0, N, dtype=jnp.int32)
    inp["edge_dst"] = jnp.sort(jax.random.randint(ks[1], (E,), 0, N, dtype=jnp.int32))
    inp["edge_scalar_attr"] = jax.random.uniform(ks[2], (E, EMB), dtype=jnp.float32)
    inp["edge_attr"] = jnp.ones((E, 1), dtype=jnp.float32)
    inp["edge_weight_cutoff"] = jax.random.uniform(ks[3], (E,), dtype=jnp.float32)
    inp["node_f"] = jax.random.normal(ks[4], (N, D), dtype=jnp.float32)
    # learned parameters
    inp["W1k"] = jax.random.normal(ks[5], (EMB, HID), dtype=jnp.float32)
    inp["W2k"] = jax.random.normal(ks[6], (HID, HID), dtype=jnp.float32)
    inp["wk"] = jax.random.normal(ks[7], (HID, D, 1), dtype=jnp.float32)   # tp_k path weight, path_shape=(mul1, mul2)=(128,1)
    inp["Wdot"] = jax.random.normal(ks[8], (H, D, D), dtype=jnp.float32)   # FullyConnectedTensorProduct -> Hx0e
    inp["W1v"] = jax.random.normal(ks[9], (EMB, HID), dtype=jnp.float32)
    inp["W2v"] = jax.random.normal(ks[10], (HID, HID), dtype=jnp.float32)
    inp["wv"] = jax.random.normal(ks[11], (HID, D, 1), dtype=jnp.float32)
    inp["Wlin"] = jax.random.normal(ks[12], (D, D), dtype=jnp.float32)     # output Linear
    return inp


def _tp_mlp(emb, x1, x2, W1, W2, wpath):
    # MultiLayerPerceptron on edge scalar attributes (phi=relu, e3nn-style 1/sqrt(fan_in))
    h = jax.nn.relu(emb @ (W1 / np.sqrt(W1.shape[0])))
    h = jax.nn.relu(h @ (W2 / np.sqrt(W2.shape[0])))
    # per-edge tensor-product path weights: einsum('x...,x->...', param, w)/sqrt(dim)
    w = jnp.einsum('eh,huv->euv', h, wpath) / np.sqrt(wpath.shape[0])
    # uvu tensor product with scalar irreps (0e x 0e -> 0e), mul2=1:
    # out[e,u] = w[e,u,0] * x1[e,u] * x2[e,0]
    return w[:, :, 0] * x1 * x2


def reference(edge_src, edge_dst, edge_scalar_attr, edge_attr, edge_weight_cutoff, node_f,
              W1k, W2k, wk, Wdot, W1v, W2v, wv, Wlin):
    x_src = node_f[edge_src]            # gather [E, D]
    x_dst = node_f[edge_dst]            # gather [E, D]
    # edge keys via tensor-product MLP (uvu)
    edge_k = _tp_mlp(edge_scalar_attr, x_src, edge_attr, W1k, W2k, wk)   # [E, D]
    # fully-connected tensor product dot -> num_heads x 0e
    dot = jnp.einsum('eu,ev,huv->eh', x_dst, edge_k, Wdot) / np.sqrt(D * D)  # [E, H]
    exp = edge_weight_cutoff[:, None] * jnp.exp(dot)                      # [E, H]
    z = jax.ops.segment_sum(exp, edge_dst, num_segments=N)                # index_add [N, H]
    z = jnp.where(z == 0.0, 1.0, z)
    alpha = exp / z[edge_dst]                                             # [E, H]
    # edge values via tensor-product MLP (uvu)
    edge_v = _tp_mlp(edge_scalar_attr, x_src, edge_attr, W1v, W2v, wv)    # [E, D]
    edge_v = jnp.sqrt(jax.nn.relu(alpha))[:, :, None] * edge_v.reshape(E, H, D // H)
    edge_v = edge_v.reshape(E, D)
    node_out = jax.ops.segment_sum(edge_v, edge_dst, num_segments=N)      # index_add [N, D]
    # output Linear over irreps (single 0e block -> dense matmul, 1/sqrt(fan_in))
    return node_out @ (Wlin / np.sqrt(D))

if __name__ == "__main__":
    import jax
    _d = setup_inputs()
    print(jax.jit(kernel)(*tuple(_d.values())))

</pallas_src>

<mosaic_0001>
#map = affine_map<(d0, d1) -> (0, 0, 0)>
#map1 = affine_map<(d0, d1) -> (0, 0)>
module attributes {stable_mosaic.version = 14 : i64} {
  func.func @body_fn(%arg0: i32, %arg1: i32, %arg2: memref<32x125x80xi32, #tpu.memory_space<hbm>>, %arg3: memref<320000x128xf32, #tpu.memory_space<hbm>>, %arg4: memref<10112x128xf32, #tpu.memory_space<hbm>>, %arg5: memref<2x10112x128xf32, #tpu.memory_space<hbm>>, %arg6: memref<125x80xi32, #tpu.memory_space<vmem>>, %arg7: memref<80x128xf32, #tpu.memory_space<vmem>>, %arg8: memref<80x128xf32, #tpu.memory_space<vmem>>, %arg9: memref<10112x128xf32, #tpu.memory_space<vmem_shared>>, %arg10: memref<!tpu.dma_semaphore, #tpu.memory_space<semaphore_mem>>, %arg11: memref<!tpu.dma_semaphore, #tpu.memory_space<semaphore_mem>>) attributes {dimension_semantics = [#tpu.dimension_semantics<core_parallel>, #tpu.dimension_semantics<subcore_parallel>], iteration_bounds = array<i64: 2, 16>, scalar_prefetch = 0 : i64, scratch_operands = 6 : i64, tpu.core_type = #tpu.core_type<sc_vector_subcore>, window_params = [{transform_indices = #map}, {transform_indices = #map1}, {transform_indices = #map1}, {transform_indices = #map}]} {
    %mul3A = arith.constant 2 : i32
    %mul3A_0 = arith.muli %arg1, %mul3A : i32
    %add3A = arith.addi %mul3A_0, %arg0 : i32
    %mul3A_1 = arith.constant 125 : i32
    %mul3A_2 = arith.muli %add3A, %mul3A_1 : i32
    %mul3A_3 = arith.constant 632 : i32
    %mul3A_4 = arith.muli %arg1, %mul3A_3 : i32
    "tpu.region"() ({
      %run_scoped3A_25 = tpu.sem_alloc : memref<!tpu.dma_semaphore, #tpu.memory_space<semaphore_mem>>
      %dma_start3A_26 = arith.constant 0 : i32
      %dma_start3A_27 = tpu.memref_slice %arg9[%mul3A_4, %dma_start3A_26] : memref<10112x128xf32, #tpu.memory_space<vmem_shared>> -> memref<632x128xf32, #tpu.memory_space<vmem_shared>>
      %dma_start3A_28 = arith.constant 0 : i32
      %dma_start3A_29 = tpu.memref_slice %arg4[%mul3A_4, %dma_start3A_28] : memref<10112x128xf32, #tpu.memory_space<hbm>> -> memref<632x128xf32, #tpu.memory_space<hbm>>
      tpu.enqueue_dma source(%dma_start3A_29 : memref<632x128xf32, #tpu.memory_space<hbm>>) target(%dma_start3A_27 : memref<632x128xf32, #tpu.memory_space<vmem_shared>>) target_semaphore(%run_scoped3A_25 : memref<!tpu.dma_semaphore, #tpu.memory_space<semaphore_mem>>)
      %dma_wait3A_30 = arith.constant 0 : i32
      %dma_wait3A_31 = tpu.memref_slice %arg9[%mul3A_4, %dma_wait3A_30] : memref<10112x128xf32, #tpu.memory_space<vmem_shared>> -> memref<632x128xf32, #tpu.memory_space<vmem_shared>>
      %dma_wait3A_32 = arith.constant 0 : i32
      %dma_wait3A_33 = tpu.memref_slice %arg4[%mul3A_4, %dma_wait3A_32] : memref<10112x128xf32, #tpu.memory_space<hbm>> -> memref<632x128xf32, #tpu.memory_space<hbm>>
      tpu.wait_dma2 semaphore(%run_scoped3A_25 : memref<!tpu.dma_semaphore, #tpu.memory_space<semaphore_mem>>) src(%dma_wait3A_33 : memref<632x128xf32, #tpu.memory_space<hbm>>) dst(%dma_wait3A_31 : memref<632x128xf32, #tpu.memory_space<vmem_shared>>)
      tpu.yield
    }) : () -> ()
    "tpu.region"() ({
      %run_scoped3A_25 = tpu.sem_alloc : memref<!tpu.dma_semaphore, #tpu.memory_space<semaphore_mem>>
      %dma_start3A_26 = arith.constant 0 : i32
      %dma_start3A_27 = arith.constant 0 : i32
      %dma_start3A_28 = tpu.memref_slice %arg2[%add3A, %dma_start3A_26, %dma_start3A_27] : memref<32x125x80xi32, #tpu.memory_space<hbm>> -> memref<1x125x80xi32, #tpu.memory_space<hbm>>
      %dma_start3A_29 = tpu.memref_squeeze %dma_start3A_28 : memref<1x125x80xi32, #tpu.memory_space<hbm>> -> memref<125x80xi32, #tpu.memory_space<hbm>>
      %dma_start3A_30 = arith.constant 0 : i32
      %dma_start3A_31 = arith.constant 0 : i32
      %dma_start3A_32 = tpu.memref_slice %arg2[%add3A, %dma_start3A_30, %dma_start3A_31] : memref<32x125x80xi32, #tpu.memory_space<hbm>> -> memref<1x125x80xi32, #tpu.memory_space<hbm>>
      %dma_start3A_33 = tpu.memref_squeeze %dma_start3A_32 : memref<1x125x80xi32, #tpu.memory_space<hbm>> -> memref<125x80xi32, #tpu.memory_space<hbm>>
      tpu.enqueue_dma source(%dma_start3A_33 : memref<125x80xi32, #tpu.memory_space<hbm>>) target(%arg6 : memref<125x80xi32, #tpu.memory_space<vmem>>) target_semaphore(%run_scoped3A_25 : memref<!tpu.dma_semaphore, #tpu.memory_space<semaphore_mem>>)
      %dma_wait3A_34 = arith.constant 0 : i32
      %dma_wait3A_35 = arith.constant 0 : i32
      %dma_wait3A_36 = tpu.memref_slice %arg2[%add3A, %dma_wait3A_34, %dma_wait3A_35] : memref<32x125x80xi32, #tpu.memory_space<hbm>> -> memref<1x125x80xi32, #tpu.memory_space<hbm>>
      %dma_wait3A_37 = tpu.memref_squeeze %dma_wait3A_36 : memref<1x125x80xi32, #tpu.memory_space<hbm>> -> memref<125x80xi32, #tpu.memory_space<hbm>>
      %dma_wait3A_38 = arith.constant 0 : i32
      %dma_wait3A_39 = arith.constant 0 : i32
      %dma_wait3A_40 = tpu.memref_slice %arg2[%add3A, %dma_wait3A_38, %dma_wait3A_39] : memref<32x125x80xi32, #tpu.memory_space<hbm>> -> memref<1x125x80xi32, #tpu.memory_space<hbm>>
      %dma_wait3A_41 = tpu.memref_squeeze %dma_wait3A_40 : memref<1x125x80xi32, #tpu.memory_space<hbm>> -> memref<125x80xi32, #tpu.memory_space<hbm>>
      tpu.wait_dma2 semaphore(%run_scoped3A_25 : memref<!tpu.dma_semaphore, #tpu.memory_space<semaphore_mem>>) src(%dma_wait3A_41 : memref<125x80xi32, #tpu.memory_space<hbm>>) dst(%arg6 : memref<125x80xi32, #tpu.memory_space<vmem>>)
      tpu.yield
    }) : () -> ()
    %barrier3A = arith.constant 0 : index
    tpu.barrier barrier_id(%barrier3A)
    %add3A_5 = arith.constant 0 : i32
    %add3A_6 = arith.addi %mul3A_2, %add3A_5 : i32
    %mul3A_7 = arith.constant 80 : i32
    %mul3A_8 = arith.muli %add3A_6, %mul3A_7 : i32
    %dma_start3A = arith.constant 0 : i32
    %dma_start3A_9 = tpu.memref_slice %arg3[%mul3A_8, %dma_start3A] : memref<320000x128xf32, #tpu.memory_space<hbm>> -> memref<80x128xf32, #tpu.memory_space<hbm>>
    %dma_start3A_10 = arith.constant 0 : i32
    %dma_start3A_11 = tpu.memref_slice %arg3[%mul3A_8, %dma_start3A_10] : memref<320000x128xf32, #tpu.memory_space<hbm>> -> memref<80x128xf32, #tpu.memory_space<hbm>>
    tpu.enqueue_dma source(%dma_start3A_11 : memref<80x128xf32, #tpu.memory_space<hbm>>) target(%arg7 : memref<80x128xf32, #tpu.memory_space<vmem>>) target_semaphore(%arg10 : memref<!tpu.dma_semaphore, #tpu.memory_space<semaphore_mem>>)
    %scan3A = arith.constant 0 : i32
    %scan3A_12 = arith.constant 0 : i32
    %scan3A_13 = arith.constant 62 : i32
    %scan3A_14 = arith.addi %scan3A_12, %scan3A_13 : i32
    %scan3A_15 = arith.constant 1 : i32
    scf.for %scan3A_25 = %scan3A_12 to %scan3A_14 step %scan3A_15  : i32 {
      %mul3A_26 = arith.constant 2 : i32
      %mul3A_27 = arith.muli %mul3A_26, %scan3A_25 : i32
      %add3A_28 = arith.constant 1 : i32
      %add3A_29 = arith.addi %mul3A_27, %add3A_28 : i32
      %add3A_30 = arith.addi %mul3A_2, %add3A_29 : i32
      %mul3A_31 = arith.constant 80 : i32
      %mul3A_32 = arith.muli %add3A_30, %mul3A_31 : i32
      %dma_start3A_33 = arith.constant 0 : i32
      %dma_start3A_34 = tpu.memref_slice %arg3[%mul3A_32, %dma_start3A_33] : memref<320000x128xf32, #tpu.memory_space<hbm>> -> memref<80x128xf32, #tpu.memory_space<hbm>>
      %dma_start3A_35 = arith.constant 0 : i32
      %dma_start3A_36 = tpu.memref_slice %arg3[%mul3A_32, %dma_start3A_35] : memref<320000x128xf32, #tpu.memory_space<hbm>> -> memref<80x128xf32, #tpu.memory_space<hbm>>
      tpu.enqueue_dma source(%dma_start3A_36 : memref<80x128xf32, #tpu.memory_space<hbm>>) target(%arg8 : memref<80x128xf32, #tpu.memory_space<vmem>>) target_semaphore(%arg11 : memref<!tpu.dma_semaphore, #tpu.memory_space<semaphore_mem>>)
      %add3A_37 = arith.addi %mul3A_2, %mul3A_27 : i32
      %mul3A_38 = arith.constant 80 : i32
      %mul3A_39 = arith.muli %add3A_37, %mul3A_38 : i32
      %dma_wait3A_40 = arith.constant 0 : i32
      %dma_wait3A_41 = tpu.memref_slice %arg3[%mul3A_39, %dma_wait3A_40] : memref<320000x128xf32, #tpu.memory_space<hbm>> -> memref<80x128xf32, #tpu.memory_space<hbm>>
      %dma_wait3A_42 = arith.constant 0 : i32
      %dma_wait3A_43 = tpu.memref_slice %arg3[%mul3A_39, %dma_wait3A_42] : memref<320000x128xf32, #tpu.memory_space<hbm>> -> memref<80x128xf32, #tpu.memory_space<hbm>>
      tpu.wait_dma2 semaphore(%arg10 : memref<!tpu.dma_semaphore, #tpu.memory_space<semaphore_mem>>) src(%dma_wait3A_43 : memref<80x128xf32, #tpu.memory_space<hbm>>) dst(%arg7 : memref<80x128xf32, #tpu.memory_space<vmem>>)
      "tpu.region"() ({
        %run_scoped3A_60 = tpu.sem_alloc : memref<!tpu.dma_semaphore, #tpu.memory_space<semaphore_mem>>
        %dma_start3A_61 = arith.constant 0 : i32
        %dma_start3A_62 = tpu.memref_slice %arg6[%mul3A_27, %dma_start3A_61] : memref<125x80xi32, #tpu.memory_space<vmem>> -> memref<1x80xi32, #tpu.memory_space<vmem>>
        %dma_start3A_63 = tpu.memref_squeeze %dma_start3A_62 : memref<1x80xi32, #tpu.memory_space<vmem>> -> memref<80xi32, #tpu.memory_space<vmem>>
        %dma_start3A_64 = arith.constant 0 : i32
        %dma_start3A_65 = arith.constant 0 : i32
        %dma_start3A_66 = tpu.memref_slice %arg9[%dma_start3A_64, %dma_start3A_65] : memref<10112x128xf32, #tpu.memory_space<vmem_shared>> -> memref<10112x128xf32, #tpu.memory_space<vmem_shared>>
        tpu.enqueue_indirect_dma source(%arg7 : memref<80x128xf32, #tpu.memory_space<vmem>>) target(%dma_start3A_66 : memref<10112x128xf32, #tpu.memory_space<vmem_shared>>) offsets(%dma_start3A_63 : memref<80xi32, #tpu.memory_space<vmem>>) semaphore(%run_scoped3A_60 : memref<!tpu.dma_semaphore, #tpu.memory_space<semaphore_mem>>) {add = true}
        %dma_wait3A_67 = arith.constant 0 : i32
        %dma_wait3A_68 = tpu.memref_slice %arg6[%mul3A_27, %dma_wait3A_67] : memref<125x80xi32, #tpu.memory_space<vmem>> -> memref<1x80xi32, #tpu.memory_space<vmem>>
        %dma_wait3A_69 = tpu.memref_squeeze %dma_wait3A_68 : memref<1x80xi32, #tpu.memory_space<vmem>> -> memref<80xi32, #tpu.memory_space<vmem>>
        %dma_wait3A_70 = arith.constant 0 : i32
        %dma_wait3A_71 = arith.constant 0 : i32
        %dma_wait3A_72 = tpu.memref_slice %arg9[%dma_wait3A_70, %dma_wait3A_71] : memref<10112x128xf32, #tpu.memory_space<vmem_shared>> -> memref<10112x128xf32, #tpu.memory_space<vmem_shared>>
        tpu.wait_indirect_dma semaphore(%run_scoped3A_60 : memref<!tpu.dma_semaphore, #tpu.memory_space<semaphore_mem>>) src(%arg7 : memref<80x128xf32, #tpu.memory_space<vmem>>) dst(%dma_wait3A_72 : memref<10112x128xf32, #tpu.memory_space<vmem_shared>>)
        tpu.yield
      }) : () -> ()
      %add3A_44 = arith.constant 2 : i32
      %add3A_45 = arith.addi %mul3A_27, %add3A_44 : i32
      %add3A_46 = arith.addi %mul3A_2, %add3A_45 : i32
      %mul3A_47 = arith.constant 80 : i32
      %mul3A_48 = arith.muli %add3A_46, %mul3A_47 : i32
      %dma_start3A_49 = arith.constant 0 : i32
      %dma_start3A_50 = tpu.memref_slice %arg3[%mul3A_48, %dma_start3A_49] : memref<320000x128xf32, #tpu.memory_space<hbm>> -> memref<80x128xf32, #tpu.memory_space<hbm>>
      %dma_start3A_51 = arith.constant 0 : i32
      %dma_start3A_52 = tpu.memref_slice %arg3[%mul3A_48, %dma_start3A_51] : memref<320000x128xf32, #tpu.memory_space<hbm>> -> memref<80x128xf32, #tpu.memory_space<hbm>>
      tpu.enqueue_dma source(%dma_start3A_52 : memref<80x128xf32, #tpu.memory_space<hbm>>) target(%arg7 : memref<80x128xf32, #tpu.memory_space<vmem>>) target_semaphore(%arg10 : memref<!tpu.dma_semaphore, #tpu.memory_space<semaphore_mem>>)
      %add3A_53 = arith.addi %mul3A_2, %add3A_29 : i32
      %mul3A_54 = arith.constant 80 : i32
      %mul3A_55 = arith.muli %add3A_53, %mul3A_54 : i32
      %dma_wait3A_56 = arith.constant 0 : i32
      %dma_wait3A_57 = tpu.memref_slice %arg3[%mul3A_55, %dma_wait3A_56] : memref<320000x128xf32, #tpu.memory_space<hbm>> -> memref<80x128xf32, #tpu.memory_space<hbm>>
      %dma_wait3A_58 = arith.constant 0 : i32
      %dma_wait3A_59 = tpu.memref_slice %arg3[%mul3A_55, %dma_wait3A_58] : memref<320000x128xf32, #tpu.memory_space<hbm>> -> memref<80x128xf32, #tpu.memory_space<hbm>>
      tpu.wait_dma2 semaphore(%arg11 : memref<!tpu.dma_semaphore, #tpu.memory_space<semaphore_mem>>) src(%dma_wait3A_59 : memref<80x128xf32, #tpu.memory_space<hbm>>) dst(%arg8 : memref<80x128xf32, #tpu.memory_space<vmem>>)
      "tpu.region"() ({
        %run_scoped3A_60 = tpu.sem_alloc : memref<!tpu.dma_semaphore, #tpu.memory_space<semaphore_mem>>
        %dma_start3A_61 = arith.constant 0 : i32
        %dma_start3A_62 = tpu.memref_slice %arg6[%add3A_29, %dma_start3A_61] : memref<125x80xi32, #tpu.memory_space<vmem>> -> memref<1x80xi32, #tpu.memory_space<vmem>>
        %dma_start3A_63 = tpu.memref_squeeze %dma_start3A_62 : memref<1x80xi32, #tpu.memory_space<vmem>> -> memref<80xi32, #tpu.memory_space<vmem>>
        %dma_start3A_64 = arith.constant 0 : i32
        %dma_start3A_65 = arith.constant 0 : i32
        %dma_start3A_66 = tpu.memref_slice %arg9[%dma_start3A_64, %dma_start3A_65] : memref<10112x128xf32, #tpu.memory_space<vmem_shared>> -> memref<10112x128xf32, #tpu.memory_space<vmem_shared>>
        tpu.enqueue_indirect_dma source(%arg8 : memref<80x128xf32, #tpu.memory_space<vmem>>) target(%dma_start3A_66 : memref<10112x128xf32, #tpu.memory_space<vmem_shared>>) offsets(%dma_start3A_63 : memref<80xi32, #tpu.memory_space<vmem>>) semaphore(%run_scoped3A_60 : memref<!tpu.dma_semaphore, #tpu.memory_space<semaphore_mem>>) {add = true}
        %dma_wait3A_67 = arith.constant 0 : i32
        %dma_wait3A_68 = tpu.memref_slice %arg6[%add3A_29, %dma_wait3A_67] : memref<125x80xi32, #tpu.memory_space<vmem>> -> memref<1x80xi32, #tpu.memory_space<vmem>>
        %dma_wait3A_69 = tpu.memref_squeeze %dma_wait3A_68 : memref<1x80xi32, #tpu.memory_space<vmem>> -> memref<80xi32, #tpu.memory_space<vmem>>
        %dma_wait3A_70 = arith.constant 0 : i32
        %dma_wait3A_71 = arith.constant 0 : i32
        %dma_wait3A_72 = tpu.memref_slice %arg9[%dma_wait3A_70, %dma_wait3A_71] : memref<10112x128xf32, #tpu.memory_space<vmem_shared>> -> memref<10112x128xf32, #tpu.memory_space<vmem_shared>>
        tpu.wait_indirect_dma semaphore(%run_scoped3A_60 : memref<!tpu.dma_semaphore, #tpu.memory_space<semaphore_mem>>) src(%arg8 : memref<80x128xf32, #tpu.memory_space<vmem>>) dst(%dma_wait3A_72 : memref<10112x128xf32, #tpu.memory_space<vmem_shared>>)
        tpu.yield
      }) : () -> ()
    }
    %scan3A_16 = arith.constant 62 : i32
    %add3A_17 = arith.constant 124 : i32
    %add3A_18 = arith.addi %mul3A_2, %add3A_17 : i32
    %mul3A_19 = arith.constant 80 : i32
    %mul3A_20 = arith.muli %add3A_18, %mul3A_19 : i32
    %dma_wait3A = arith.constant 0 : i32
    %dma_wait3A_21 = tpu.memref_slice %arg3[%mul3A_20, %dma_wait3A] : memref<320000x128xf32, #tpu.memory_space<hbm>> -> memref<80x128xf32, #tpu.memory_space<hbm>>
    %dma_wait3A_22 = arith.constant 0 : i32
    %dma_wait3A_23 = tpu.memref_slice %arg3[%mul3A_20, %dma_wait3A_22] : memref<320000x128xf32, #tpu.memory_space<hbm>> -> memref<80x128xf32, #tpu.memory_space<hbm>>
    tpu.wait_dma2 semaphore(%arg10 : memref<!tpu.dma_semaphore, #tpu.memory_space<semaphore_mem>>) src(%dma_wait3A_23 : memref<80x128xf32, #tpu.memory_space<hbm>>) dst(%arg7 : memref<80x128xf32, #tpu.memory_space<vmem>>)
    %run_scoped3A = arith.constant 124 : i32
    "tpu.region"() ({
      %run_scoped3A_25 = tpu.sem_alloc : memref<!tpu.dma_semaphore, #tpu.memory_space<semaphore_mem>>
      %dma_start3A_26 = arith.constant 0 : i32
      %dma_start3A_27 = tpu.memref_slice %arg6[%run_scoped3A, %dma_start3A_26] : memref<125x80xi32, #tpu.memory_space<vmem>> -> memref<1x80xi32, #tpu.memory_space<vmem>>
      %dma_start3A_28 = tpu.memref_squeeze %dma_start3A_27 : memref<1x80xi32, #tpu.memory_space<vmem>> -> memref<80xi32, #tpu.memory_space<vmem>>
      %dma_start3A_29 = arith.constant 0 : i32
      %dma_start3A_30 = arith.constant 0 : i32
      %dma_start3A_31 = tpu.memref_slice %arg9[%dma_start3A_29, %dma_start3A_30] : memref<10112x128xf32, #tpu.memory_space<vmem_shared>> -> memref<10112x128xf32, #tpu.memory_space<vmem_shared>>
      tpu.enqueue_indirect_dma source(%arg7 : memref<80x128xf32, #tpu.memory_space<vmem>>) target(%dma_start3A_31 : memref<10112x128xf32, #tpu.memory_space<vmem_shared>>) offsets(%dma_start3A_28 : memref<80xi32, #tpu.memory_space<vmem>>) semaphore(%run_scoped3A_25 : memref<!tpu.dma_semaphore, #tpu.memory_space<semaphore_mem>>) {add = true}
      %dma_wait3A_32 = arith.constant 0 : i32
      %dma_wait3A_33 = tpu.memref_slice %arg6[%run_scoped3A, %dma_wait3A_32] : memref<125x80xi32, #tpu.memory_space<vmem>> -> memref<1x80xi32, #tpu.memory_space<vmem>>
      %dma_wait3A_34 = tpu.memref_squeeze %dma_wait3A_33 : memref<1x80xi32, #tpu.memory_space<vmem>> -> memref<80xi32, #tpu.memory_space<vmem>>
      %dma_wait3A_35 = arith.constant 0 : i32
      %dma_wait3A_36 = arith.constant 0 : i32
      %dma_wait3A_37 = tpu.memref_slice %arg9[%dma_wait3A_35, %dma_wait3A_36] : memref<10112x128xf32, #tpu.memory_space<vmem_shared>> -> memref<10112x128xf32, #tpu.memory_space<vmem_shared>>
      tpu.wait_indirect_dma semaphore(%run_scoped3A_25 : memref<!tpu.dma_semaphore, #tpu.memory_space<semaphore_mem>>) src(%arg7 : memref<80x128xf32, #tpu.memory_space<vmem>>) dst(%dma_wait3A_37 : memref<10112x128xf32, #tpu.memory_space<vmem_shared>>)
      tpu.yield
    }) : () -> ()
    %barrier3A_24 = arith.constant 0 : index
    tpu.barrier barrier_id(%barrier3A_24)
    "tpu.region"() ({
      %run_scoped3A_25 = tpu.sem_alloc : memref<!tpu.dma_semaphore, #tpu.memory_space<semaphore_mem>>
      %dma_start3A_26 = arith.constant 0 : i32
      %dma_start3A_27 = tpu.memref_slice %arg5[%arg0, %mul3A_4, %dma_start3A_26] : memref<2x10112x128xf32, #tpu.memory_space<hbm>> -> memref<1x632x128xf32, #tpu.memory_space<hbm>>
      %dma_start3A_28 = tpu.memref_squeeze %dma_start3A_27 : memref<1x632x128xf32, #tpu.memory_space<hbm>> -> memref<632x128xf32, #tpu.memory_space<hbm>>
      %dma_start3A_29 = arith.constant 0 : i32
      %dma_start3A_30 = tpu.memref_slice %arg9[%mul3A_4, %dma_start3A_29] : memref<10112x128xf32, #tpu.memory_space<vmem_shared>> -> memref<632x128xf32, #tpu.memory_space<vmem_shared>>
      tpu.enqueue_dma source(%dma_start3A_30 : memref<632x128xf32, #tpu.memory_space<vmem_shared>>) target(%dma_start3A_28 : memref<632x128xf32, #tpu.memory_space<hbm>>) target_semaphore(%run_scoped3A_25 : memref<!tpu.dma_semaphore, #tpu.memory_space<semaphore_mem>>)
      %dma_wait3A_31 = arith.constant 0 : i32
      %dma_wait3A_32 = tpu.memref_slice %arg5[%arg0, %mul3A_4, %dma_wait3A_31] : memref<2x10112x128xf32, #tpu.memory_space<hbm>> -> memref<1x632x128xf32, #tpu.memory_space<hbm>>
      %dma_wait3A_33 = tpu.memref_squeeze %dma_wait3A_32 : memref<1x632x128xf32, #tpu.memory_space<hbm>> -> memref<632x128xf32, #tpu.memory_space<hbm>>
      %dma_wait3A_34 = arith.constant 0 : i32
      %dma_wait3A_35 = tpu.memref_slice %arg9[%mul3A_4, %dma_wait3A_34] : memref<10112x128xf32, #tpu.memory_space<vmem_shared>> -> memref<632x128xf32, #tpu.memory_space<vmem_shared>>
      tpu.wait_dma2 semaphore(%run_scoped3A_25 : memref<!tpu.dma_semaphore, #tpu.memory_space<semaphore_mem>>) src(%dma_wait3A_35 : memref<632x128xf32, #tpu.memory_space<vmem_shared>>) dst(%dma_wait3A_33 : memref<632x128xf32, #tpu.memory_space<hbm>>)
      tpu.yield
    }) : () -> ()
    return
  }
}

#map = affine_map<(d0, d1) -> (0, 0)>
#map1 = affine_map<(d0, d1) -> (0, 0, 0)>
module attributes {stable_mosaic.version = 14 : i64} {
  func.func @_gather_body(%arg0: i32, %arg1: i32, %arg2: memref<10000x128xf32, #tpu.memory_space<hbm>>, %arg3: memref<32x125x80xi32, #tpu.memory_space<hbm>>, %arg4: memref<32x125x80xi32, #tpu.memory_space<hbm>>, %arg5: memref<320000x128xf32, #tpu.memory_space<hbm>>, %arg6: memref<320000x128xf32, #tpu.memory_space<hbm>>, %arg7: memref<125x80xi32, #tpu.memory_space<vmem>>, %arg8: memref<125x80xi32, #tpu.memory_space<vmem>>, %arg9: memref<4x80x128xf32, #tpu.memory_space<vmem>>, %arg10: memref<4x80x128xf32, #tpu.memory_space<vmem>>, %arg11: memref<4x!tpu.dma_semaphore, #tpu.memory_space<semaphore_mem>>, %arg12: memref<4x!tpu.dma_semaphore, #tpu.memory_space<semaphore_mem>>) attributes {dimension_semantics = [#tpu.dimension_semantics<core_parallel>, #tpu.dimension_semantics<subcore_parallel>], iteration_bounds = array<i64: 2, 16>, scalar_prefetch = 0 : i64, scratch_operands = 6 : i64, tpu.core_type = #tpu.core_type<sc_vector_subcore>, window_params = [{transform_indices = #map}, {transform_indices = #map1}, {transform_indices = #map1}, {transform_indices = #map}, {transform_indices = #map}]} {
    %mul3A = arith.constant 2 : i32
    %mul3A_0 = arith.muli %arg1, %mul3A : i32
    %add3A = arith.addi %mul3A_0, %arg0 : i32
    %mul3A_1 = arith.constant 125 : i32
    %mul3A_2 = arith.muli %add3A, %mul3A_1 : i32
    "tpu.region"() ({
      %run_scoped3A = tpu.sem_alloc : memref<!tpu.dma_semaphore, #tpu.memory_space<semaphore_mem>>
      %dma_start3A_97 = arith.constant 0 : i32
      %dma_start3A_98 = arith.constant 0 : i32
      %dma_start3A_99 = tpu.memref_slice %arg3[%add3A, %dma_start3A_97, %dma_start3A_98] : memref<32x125x80xi32, #tpu.memory_space<hbm>> -> memref<1x125x80xi32, #tpu.memory_space<hbm>>
      %dma_start3A_100 = tpu.memref_squeeze %dma_start3A_99 : memref<1x125x80xi32, #tpu.memory_space<hbm>> -> memref<125x80xi32, #tpu.memory_space<hbm>>
      %dma_start3A_101 = arith.constant 0 : i32
      %dma_start3A_102 = arith.constant 0 : i32
      %dma_start3A_103 = tpu.memref_slice %arg3[%add3A, %dma_start3A_101, %dma_start3A_102] : memref<32x125x80xi32, #tpu.memory_space<hbm>> -> memref<1x125x80xi32, #tpu.memory_space<hbm>>
      %dma_start3A_104 = tpu.memref_squeeze %dma_start3A_103 : memref<1x125x80xi32, #tpu.memory_space<hbm>> -> memref<125x80xi32, #tpu.memory_space<hbm>>
      tpu.enqueue_dma source(%dma_start3A_104 : memref<125x80xi32, #tpu.memory_space<hbm>>) target(%arg7 : memref<125x80xi32, #tpu.memory_space<vmem>>) target_semaphore(%run_scoped3A : memref<!tpu.dma_semaphore, #tpu.memory_space<semaphore_mem>>)
      %dma_wait3A = arith.constant 0 : i32
      %dma_wait3A_105 = arith.constant 0 : i32
      %dma_wait3A_106 = tpu.memref_slice %arg3[%add3A, %dma_wait3A, %dma_wait3A_105] : memref<32x125x80xi32, #tpu.memory_space<hbm>> -> memref<1x125x80xi32, #tpu.memory_space<hbm>>
      %dma_wait3A_107 = tpu.memref_squeeze %dma_wait3A_106 : memref<1x125x80xi32, #tpu.memory_space<hbm>> -> memref<125x80xi32, #tpu.memory_space<hbm>>
      %dma_wait3A_108 = arith.constant 0 : i32
      %dma_wait3A_109 = arith.constant 0 : i32
      %dma_wait3A_110 = tpu.memref_slice %arg3[%add3A, %dma_wait3A_108, %dma_wait3A_109] : memref<32x125x80xi32, #tpu.memory_space<hbm>> -> memref<1x125x80xi32, #tpu.memory_space<hbm>>
      %dma_wait3A_111 = tpu.memref_squeeze %dma_wait3A_110 : memref<1x125x80xi32, #tpu.memory_space<hbm>> -> memref<125x80xi32, #tpu.memory_space<hbm>>
      tpu.wait_dma2 semaphore(%run_scoped3A : memref<!tpu.dma_semaphore, #tpu.memory_space<semaphore_mem>>) src(%dma_wait3A_111 : memref<125x80xi32, #tpu.memory_space<hbm>>) dst(%arg7 : memref<125x80xi32, #tpu.memory_space<vmem>>)
      tpu.yield
    }) : () -> ()
    "tpu.region"() ({
      %run_scoped3A = tpu.sem_alloc : memref<!tpu.dma_semaphore, #tpu.memory_space<semaphore_mem>>
      %dma_start3A_97 = arith.constant 0 : i32
      %dma_start3A_98 = arith.constant 0 : i32
      %dma_start3A_99 = tpu.memref_slice %arg4[%add3A, %dma_start3A_97, %dma_start3A_98] : memref<32x125x80xi32, #tpu.memory_space<hbm>> -> memref<1x125x80xi32, #tpu.memory_space<hbm>>
      %dma_start3A_100 = tpu.memref_squeeze %dma_start3A_99 : memref<1x125x80xi32, #tpu.memory_space<hbm>> -> memref<125x80xi32, #tpu.memory_space<hbm>>
      %dma_start3A_101 = arith.constant 0 : i32
      %dma_start3A_102 = arith.constant 0 : i32
      %dma_start3A_103 = tpu.memref_slice %arg4[%add3A, %dma_start3A_101, %dma_start3A_102] : memref<32x125x80xi32, #tpu.memory_space<hbm>> -> memref<1x125x80xi32, #tpu.memory_space<hbm>>
      %dma_start3A_104 = tpu.memref_squeeze %dma_start3A_103 : memref<1x125x80xi32, #tpu.memory_space<hbm>> -> memref<125x80xi32, #tpu.memory_space<hbm>>
      tpu.enqueue_dma source(%dma_start3A_104 : memref<125x80xi32, #tpu.memory_space<hbm>>) target(%arg8 : memref<125x80xi32, #tpu.memory_space<vmem>>) target_semaphore(%run_scoped3A : memref<!tpu.dma_semaphore, #tpu.memory_space<semaphore_mem>>)
      %dma_wait3A = arith.constant 0 : i32
      %dma_wait3A_105 = arith.constant 0 : i32
      %dma_wait3A_106 = tpu.memref_slice %arg4[%add3A, %dma_wait3A, %dma_wait3A_105] : memref<32x125x80xi32, #tpu.memory_space<hbm>> -> memref<1x125x80xi32, #tpu.memory_space<hbm>>
      %dma_wait3A_107 = tpu.memref_squeeze %dma_wait3A_106 : memref<1x125x80xi32, #tpu.memory_space<hbm>> -> memref<125x80xi32, #tpu.memory_space<hbm>>
      %dma_wait3A_108 = arith.constant 0 : i32
      %dma_wait3A_109 = arith.constant 0 : i32
      %dma_wait3A_110 = tpu.memref_slice %arg4[%add3A, %dma_wait3A_108, %dma_wait3A_109] : memref<32x125x80xi32, #tpu.memory_space<hbm>> -> memref<1x125x80xi32, #tpu.memory_space<hbm>>
      %dma_wait3A_111 = tpu.memref_squeeze %dma_wait3A_110 : memref<1x125x80xi32, #tpu.memory_space<hbm>> -> memref<125x80xi32, #tpu.memory_space<hbm>>
      tpu.wait_dma2 semaphore(%run_scoped3A : memref<!tpu.dma_semaphore, #tpu.memory_space<semaphore_mem>>) src(%dma_wait3A_111 : memref<125x80xi32, #tpu.memory_space<hbm>>) dst(%arg8 : memref<125x80xi32, #tpu.memory_space<vmem>>)
      tpu.yield
    }) : () -> ()
    %dma_start3A = arith.constant 0 : i32
    %dma_start3A_3 = arith.constant 0 : i32
    %dma_start3A_4 = arith.constant 0 : i32
    %dma_start3A_5 = arith.constant 0 : i32
    %dma_start3A_6 = arith.constant 0 : i32
    %dma_start3A_7 = tpu.memref_slice %arg9[%dma_start3A_3, %dma_start3A_5, %dma_start3A_6] : memref<4x80x128xf32, #tpu.memory_space<vmem>> -> memref<1x80x128xf32, #tpu.memory_space<vmem>>
    %dma_start3A_8 = tpu.memref_squeeze %dma_start3A_7 : memref<1x80x128xf32, #tpu.memory_space<vmem>> -> memref<80x128xf32, #tpu.memory_space<vmem>>
    %dma_start3A_9 = arith.constant 0 : i32
    %dma_start3A_10 = tpu.memref_slice %arg7[%dma_start3A, %dma_start3A_9] : memref<125x80xi32, #tpu.memory_space<vmem>> -> memref<1x80xi32, #tpu.memory_space<vmem>>
    %dma_start3A_11 = tpu.memref_squeeze %dma_start3A_10 : memref<1x80xi32, #tpu.memory_space<vmem>> -> memref<80xi32, #tpu.memory_space<vmem>>
    %dma_start3A_12 = arith.constant 0 : i32
    %dma_start3A_13 = arith.constant 0 : i32
    %dma_start3A_14 = tpu.memref_slice %arg2[%dma_start3A_12, %dma_start3A_13] : memref<10000x128xf32, #tpu.memory_space<hbm>> -> memref<10000x128xf32, #tpu.memory_space<hbm>>
    %dma_start3A_15 = tpu.memref_slice %arg11[%dma_start3A_4] : memref<4x!tpu.dma_semaphore, #tpu.memory_space<semaphore_mem>> -> memref<1x!tpu.dma_semaphore, #tpu.memory_space<semaphore_mem>>
    %dma_start3A_16 = tpu.memref_squeeze %dma_start3A_15 : memref<1x!tpu.dma_semaphore, #tpu.memory_space<semaphore_mem>> -> memref<!tpu.dma_semaphore, #tpu.memory_space<semaphore_mem>>
    tpu.enqueue_indirect_dma source(%dma_start3A_14 : memref<10000x128xf32, #tpu.memory_space<hbm>>) target(%dma_start3A_8 : memref<80x128xf32, #tpu.memory_space<vmem>>) offsets(%dma_start3A_11 : memref<80xi32, #tpu.memory_space<vmem>>) semaphore(%dma_start3A_16 : memref<!tpu.dma_semaphore, #tpu.memory_space<semaphore_mem>>)
    %dma_start3A_17 = arith.constant 0 : i32
    %dma_start3A_18 = arith.constant 0 : i32
    %dma_start3A_19 = arith.constant 0 : i32
    %dma_start3A_20 = arith.constant 0 : i32
    %dma_start3A_21 = arith.constant 0 : i32
    %dma_start3A_22 = tpu.memref_slice %arg10[%dma_start3A_18, %dma_start3A_20, %dma_start3A_21] : memref<4x80x128xf32, #tpu.memory_space<vmem>> -> memref<1x80x128xf32, #tpu.memory_space<vmem>>
    %dma_start3A_23 = tpu.memref_squeeze %dma_start3A_22 : memref<1x80x128xf32, #tpu.memory_space<vmem>> -> memref<80x128xf32, #tpu.memory_space<vmem>>
    %dma_start3A_24 = arith.constant 0 : i32
    %dma_start3A_25 = tpu.memref_slice %arg8[%dma_start3A_17, %dma_start3A_24] : memref<125x80xi32, #tpu.memory_space<vmem>> -> memref<1x80xi32, #tpu.memory_space<vmem>>
    %dma_start3A_26 = tpu.memref_squeeze %dma_start3A_25 : memref<1x80xi32, #tpu.memory_space<vmem>> -> memref<80xi32, #tpu.memory_space<vmem>>
    %dma_start3A_27 = arith.constant 0 : i32
    %dma_start3A_28 = arith.constant 0 : i32
    %dma_start3A_29 = tpu.memref_slice %arg2[%dma_start3A_27, %dma_start3A_28] : memref<10000x128xf32, #tpu.memory_space<hbm>> -> memref<10000x128xf32, #tpu.memory_space<hbm>>
    %dma_start3A_30 = tpu.memref_slice %arg12[%dma_start3A_19] : memref<4x!tpu.dma_semaphore, #tpu.memory_space<semaphore_mem>> -> memref<1x!tpu.dma_semaphore, #tpu.memory_space<semaphore_mem>>
    %dma_start3A_31 = tpu.memref_squeeze %dma_start3A_30 : memref<1x!tpu.dma_semaphore, #tpu.memory_space<semaphore_mem>> -> memref<!tpu.dma_semaphore, #tpu.memory_space<semaphore_mem>>
    tpu.enqueue_indirect_dma source(%dma_start3A_29 : memref<10000x128xf32, #tpu.memory_space<hbm>>) target(%dma_start3A_23 : memref<80x128xf32, #tpu.memory_space<vmem>>) offsets(%dma_start3A_26 : memref<80xi32, #tpu.memory_space<vmem>>) semaphore(%dma_start3A_31 : memref<!tpu.dma_semaphore, #tpu.memory_space<semaphore_mem>>)
    %dma_start3A_32 = arith.constant 1 : i32
    %dma_start3A_33 = arith.constant 1 : i32
    %dma_start3A_34 = arith.constant 1 : i32
    %dma_start3A_35 = arith.constant 0 : i32
    %dma_start3A_36 = arith.constant 0 : i32
    %dma_start3A_37 = tpu.memref_slice %arg9[%dma_start3A_33, %dma_start3A_35, %dma_start3A_36] : memref<4x80x128xf32, #tpu.memory_space<vmem>> -> memref<1x80x128xf32, #tpu.memory_space<vmem>>
    %dma_start3A_38 = tpu.memref_squeeze %dma_start3A_37 : memref<1x80x128xf32, #tpu.memory_space<vmem>> -> memref<80x128xf32, #tpu.memory_space<vmem>>
    %dma_start3A_39 = arith.constant 0 : i32
    %dma_start3A_40 = tpu.memref_slice %arg7[%dma_start3A_32, %dma_start3A_39] : memref<125x80xi32, #tpu.memory_space<vmem>> -> memref<1x80xi32, #tpu.memory_space<vmem>>
    %dma_start3A_41 = tpu.memref_squeeze %dma_start3A_40 : memref<1x80xi32, #tpu.memory_space<vmem>> -> memref<80xi32, #tpu.memory_space<vmem>>
    %dma_start3A_42 = arith.constant 0 : i32
    %dma_start3A_43 = arith.constant 0 : i32
    %dma_start3A_44 = tpu.memref_slice %arg2[%dma_start3A_42, %dma_start3A_43] : memref<10000x128xf32, #tpu.memory_space<hbm>> -> memref<10000x128xf32, #tpu.memory_space<hbm>>
    %dma_start3A_45 = tpu.memref_slice %arg11[%dma_start3A_34] : memref<4x!tpu.dma_semaphore, #tpu.memory_space<semaphore_mem>> -> memref<1x!tpu.dma_semaphore, #tpu.memory_space<semaphore_mem>>
    %dma_start3A_46 = tpu.memref_squeeze %dma_start3A_45 : memref<1x!tpu.dma_semaphore, #tpu.memory_space<semaphore_mem>> -> memref<!tpu.dma_semaphore, #tpu.memory_space<semaphore_mem>>
    tpu.enqueue_indirect_dma source(%dma_start3A_44 : memref<10000x128xf32, #tpu.memory_space<hbm>>) target(%dma_start3A_38 : memref<80x128xf32, #tpu.memory_space<vmem>>) offsets(%dma_start3A_41 : memref<80xi32, #tpu.memory_space<vmem>>) semaphore(%dma_start3A_46 : memref<!tpu.dma_semaphore, #tpu.memory_space<semaphore_mem>>)
    %dma_start3A_47 = arith.constant 1 : i32
    %dma_start3A_48 = arith.constant 1 : i32
    %dma_start3A_49 = arith.constant 1 : i32
    %dma_start3A_50 = arith.constant 0 : i32
    %dma_start3A_51 = arith.constant 0 : i32
    %dma_start3A_52 = tpu.memref_slice %arg10[%dma_start3A_48, %dma_start3A_50, %dma_start3A_51] : memref<4x80x128xf32, #tpu.memory_space<vmem>> -> memref<1x80x128xf32, #tpu.memory_space<vmem>>
    %dma_start3A_53 = tpu.memref_squeeze %dma_start3A_52 : memref<1x80x128xf32, #tpu.memory_space<vmem>> -> memref<80x128xf32, #tpu.memory_space<vmem>>
    %dma_start3A_54 = arith.constant 0 : i32
    %dma_start3A_55 = tpu.memref_slice %arg8[%dma_start3A_47, %dma_start3A_54] : memref<125x80xi32, #tpu.memory_space<vmem>> -> memref<1x80xi32, #tpu.memory_space<vmem>>
    %dma_start3A_56 = tpu.memref_squeeze %dma_start3A_55 : memref<1x80xi32, #tpu.memory_space<vmem>> -> memref<80xi32, #tpu.memory_space<vmem>>
    %dma_start3A_57 = arith.constant 0 : i32
    %dma_start3A_58 = arith.constant 0 : i32
    %dma_start3A_59 = tpu.memref_slice %arg2[%dma_start3A_57, %dma_start3A_58] : memref<10000x128xf32, #tpu.memory_space<hbm>> -> memref<10000x128xf32, #tpu.memory_space<hbm>>
    %dma_start3A_60 = tpu.memref_slice %arg12[%dma_start3A_49] : memref<4x!tpu.dma_semaphore, #tpu.memory_space<semaphore_mem>> -> memref<1x!tpu.dma_semaphore, #tpu.memory_space<semaphore_mem>>
    %dma_start3A_61 = tpu.memref_squeeze %dma_start3A_60 : memref<1x!tpu.dma_semaphore, #tpu.memory_space<semaphore_mem>> -> memref<!tpu.dma_semaphore, #tpu.memory_space<semaphore_mem>>
    tpu.enqueue_indirect_dma source(%dma_start3A_59 : memref<10000x128xf32, #tpu.memory_space<hbm>>) target(%dma_start3A_53 : memref<80x128xf32, #tpu.memory_space<vmem>>) offsets(%dma_start3A_56 : memref<80xi32, #tpu.memory_space<vmem>>) semaphore(%dma_start3A_61 : memref<!tpu.dma_semaphore, #tpu.memory_space<semaphore_mem>>)
    %dma_start3A_62 = arith.constant 2 : i32
    %dma_start3A_63 = arith.constant 2 : i32
    %dma_start3A_64 = arith.constant 2 : i32
    %dma_start3A_65 = arith.constant 0 : i32
    %dma_start3A_66 = arith.constant 0 : i32
    %dma_start3A_67 = tpu.memref_slice %arg9[%dma_start3A_63, %dma_start3A_65, %dma_start3A_66] : memref<4x80x128xf32, #tpu.memory_space<vmem>> -> memref<1x80x128xf32, #tpu.memory_space<vmem>>
    %dma_start3A_68 = tpu.memref_squeeze %dma_start3A_67 : memref<1x80x128xf32, #tpu.memory_space<vmem>> -> memref<80x128xf32, #tpu.memory_space<vmem>>
    %dma_start3A_69 = arith.constant 0 : i32
    %dma_start3A_70 = tpu.memref_slice %arg7[%dma_start3A_62, %dma_start3A_69] : memref<125x80xi32, #tpu.memory_space<vmem>> -> memref<1x80xi32, #tpu.memory_space<vmem>>
    %dma_start3A_71 = tpu.memref_squeeze %dma_start3A_70 : memref<1x80xi32, #tpu.memory_space<vmem>> -> memref<80xi32, #tpu.memory_space<vmem>>
    %dma_start3A_72 = arith.constant 0 : i32
    %dma_start3A_73 = arith.constant 0 : i32
    %dma_start3A_74 = tpu.memref_slice %arg2[%dma_start3A_72, %dma_start3A_73] : memref<10000x128xf32, #tpu.memory_space<hbm>> -> memref<10000x128xf32, #tpu.memory_space<hbm>>
    %dma_start3A_75 = tpu.memref_slice %arg11[%dma_start3A_64] : memref<4x!tpu.dma_semaphore, #tpu.memory_space<semaphore_mem>> -> memref<1x!tpu.dma_semaphore, #tpu.memory_space<semaphore_mem>>
    %dma_start3A_76 = tpu.memref_squeeze %dma_start3A_75 : memref<1x!tpu.dma_semaphore, #tpu.memory_space<semaphore_mem>> -> memref<!tpu.dma_semaphore, #tpu.memory_space<semaphore_mem>>
    tpu.enqueue_indirect_dma source(%dma_start3A_74 : memref<10000x128xf32, #tpu.memory_space<hbm>>) target(%dma_start3A_68 : memref<80x128xf32, #tpu.memory_space<vmem>>) offsets(%dma_start3A_71 : memref<80xi32, #tpu.memory_space<vmem>>) semaphore(%dma_start3A_76 : memref<!tpu.dma_semaphore, #tpu.memory_space<semaphore_mem>>)
    %dma_start3A_77 = arith.constant 2 : i32
    %dma_start3A_78 = arith.constant 2 : i32
    %dma_start3A_79 = arith.constant 2 : i32
    %dma_start3A_80 = arith.constant 0 : i32
    %dma_start3A_81 = arith.constant 0 : i32
    %dma_start3A_82 = tpu.memref_slice %arg10[%dma_start3A_78, %dma_start3A_80, %dma_start3A_81] : memref<4x80x128xf32, #tpu.memory_space<vmem>> -> memref<1x80x128xf32, #tpu.memory_space<vmem>>
    %dma_start3A_83 = tpu.memref_squeeze %dma_start3A_82 : memref<1x80x128xf32, #tpu.memory_space<vmem>> -> memref<80x128xf32, #tpu.memory_space<vmem>>
    %dma_start3A_84 = arith.constant 0 : i32
    %dma_start3A_85 = tpu.memref_slice %arg8[%dma_start3A_77, %dma_start3A_84] : memref<125x80xi32, #tpu.memory_space<vmem>> -> memref<1x80xi32, #tpu.memory_space<vmem>>
    %dma_start3A_86 = tpu.memref_squeeze %dma_start3A_85 : memref<1x80xi32, #tpu.memory_space<vmem>> -> memref<80xi32, #tpu.memory_space<vmem>>
    %dma_start3A_87 = arith.constant 0 : i32
    %dma_start3A_88 = arith.constant 0 : i32
    %dma_start3A_89 = tpu.memref_slice %arg2[%dma_start3A_87, %dma_start3A_88] : memref<10000x128xf32, #tpu.memory_space<hbm>> -> memref<10000x128xf32, #tpu.memory_space<hbm>>
    %dma_start3A_90 = tpu.memref_slice %arg12[%dma_start3A_79] : memref<4x!tpu.dma_semaphore, #tpu.memory_space<semaphore_mem>> -> memref<1x!tpu.dma_semaphore, #tpu.memory_space<semaphore_mem>>
    %dma_start3A_91 = tpu.memref_squeeze %dma_start3A_90 : memref<1x!tpu.dma_semaphore, #tpu.memory_space<semaphore_mem>> -> memref<!tpu.dma_semaphore, #tpu.memory_space<semaphore_mem>>
    tpu.enqueue_indirect_dma source(%dma_start3A_89 : memref<10000x128xf32, #tpu.memory_space<hbm>>) target(%dma_start3A_83 : memref<80x128xf32, #tpu.memory_space<vmem>>) offsets(%dma_start3A_86 : memref<80xi32, #tpu.memory_space<vmem>>) semaphore(%dma_start3A_91 : memref<!tpu.dma_semaphore, #tpu.memory_space<semaphore_mem>>)
    %scan3A = arith.constant 0 : i32
    %scan3A_92 = arith.constant 0 : i32
    %scan3A_93 = arith.constant 125 : i32
    %scan3A_94 = arith.addi %scan3A_92, %scan3A_93 : i32
    %scan3A_95 = arith.constant 1 : i32
    scf.for %scan3A_97 = %scan3A_92 to %scan3A_94 step %scan3A_95  : i32 {
      %rem3A = arith.constant 4 : i32
      %rem3A_98 = arith.remsi %scan3A_97, %rem3A : i32
      %add3A_99 = arith.constant 4 : i32
      %add3A_100 = arith.addi %scan3A_97, %add3A_99 : i32
      %sub3A = arith.constant 1 : i32
      %sub3A_101 = arith.subi %add3A_100, %sub3A : i32
      %rem3A_102 = arith.constant 4 : i32
      %rem3A_103 = arith.remsi %sub3A_101, %rem3A_102 : i32
      %lt3A = arith.constant 125 : i32
      %lt3A_104 = arith.cmpi slt, %sub3A_101, %lt3A : i32
      %convert_element_type3A = arith.extui %lt3A_104 : i1 to i32
      %cond3A = arith.constant 0 : i32
      %cond3A_105 = arith.cmpi ne, %convert_element_type3A, %cond3A : i32
      scf.if %cond3A_105 {
        %dma_start3A_132 = arith.constant 0 : i32
        %dma_start3A_133 = arith.constant 0 : i32
        %dma_start3A_134 = tpu.memref_slice %arg9[%rem3A_103, %dma_start3A_132, %dma_start3A_133] : memref<4x80x128xf32, #tpu.memory_space<vmem>> -> memref<1x80x128xf32, #tpu.memory_space<vmem>>
        %dma_start3A_135 = tpu.memref_squeeze %dma_start3A_134 : memref<1x80x128xf32, #tpu.memory_space<vmem>> -> memref<80x128xf32, #tpu.memory_space<vmem>>
        %dma_start3A_136 = arith.constant 0 : i32
        %dma_start3A_137 = tpu.memref_slice %arg7[%sub3A_101, %dma_start3A_136] : memref<125x80xi32, #tpu.memory_space<vmem>> -> memref<1x80xi32, #tpu.memory_space<vmem>>
        %dma_start3A_138 = tpu.memref_squeeze %dma_start3A_137 : memref<1x80xi32, #tpu.memory_space<vmem>> -> memref<80xi32, #tpu.memory_space<vmem>>
        %dma_start3A_139 = arith.constant 0 : i32
        %dma_start3A_140 = arith.constant 0 : i32
        %dma_start3A_141 = tpu.memref_slice %arg2[%dma_start3A_139, %dma_start3A_140] : memref<10000x128xf32, #tpu.memory_space<hbm>> -> memref<10000x128xf32, #tpu.memory_space<hbm>>
        %dma_start3A_142 = tpu.memref_slice %arg11[%rem3A_103] : memref<4x!tpu.dma_semaphore, #tpu.memory_space<semaphore_mem>> -> memref<1x!tpu.dma_semaphore, #tpu.memory_space<semaphore_mem>>
        %dma_start3A_143 = tpu.memref_squeeze %dma_start3A_142 : memref<1x!tpu.dma_semaphore, #tpu.memory_space<semaphore_mem>> -> memref<!tpu.dma_semaphore, #tpu.memory_space<semaphore_mem>>
        tpu.enqueue_indirect_dma source(%dma_start3A_141 : memref<10000x128xf32, #tpu.memory_space<hbm>>) target(%dma_start3A_135 : memref<80x128xf32, #tpu.memory_space<vmem>>) offsets(%dma_start3A_138 : memref<80xi32, #tpu.memory_space<vmem>>) semaphore(%dma_start3A_143 : memref<!tpu.dma_semaphore, #tpu.memory_space<semaphore_mem>>)
        %dma_start3A_144 = arith.constant 0 : i32
        %dma_start3A_145 = arith.constant 0 : i32
        %dma_start3A_146 = tpu.memref_slice %arg10[%rem3A_103, %dma_start3A_144, %dma_start3A_145] : memref<4x80x128xf32, #tpu.memory_space<vmem>> -> memref<1x80x128xf32, #tpu.memory_space<vmem>>
        %dma_start3A_147 = tpu.memref_squeeze %dma_start3A_146 : memref<1x80x128xf32, #tpu.memory_space<vmem>> -> memref<80x128xf32, #tpu.memory_space<vmem>>
        %dma_start3A_148 = arith.constant 0 : i32
        %dma_start3A_149 = tpu.memref_slice %arg8[%sub3A_101, %dma_start3A_148] : memref<125x80xi32, #tpu.memory_space<vmem>> -> memref<1x80xi32, #tpu.memory_space<vmem>>
        %dma_start3A_150 = tpu.memref_squeeze %dma_start3A_149 : memref<1x80xi32, #tpu.memory_space<vmem>> -> memref<80xi32, #tpu.memory_space<vmem>>
        %dma_start3A_151 = arith.constant 0 : i32
        %dma_start3A_152 = arith.constant 0 : i32
        %dma_start3A_153 = tpu.memref_slice %arg2[%dma_start3A_151, %dma_start3A_152] : memref<10000x128xf32, #tpu.memory_space<hbm>> -> memref<10000x128xf32, #tpu.memory_space<hbm>>
        %dma_start3A_154 = tpu.memref_slice %arg12[%rem3A_103] : memref<4x!tpu.dma_semaphore, #tpu.memory_space<semaphore_mem>> -> memref<1x!tpu.dma_semaphore, #tpu.memory_space<semaphore_mem>>
        %dma_start3A_155 = tpu.memref_squeeze %dma_start3A_154 : memref<1x!tpu.dma_semaphore, #tpu.memory_space<semaphore_mem>> -> memref<!tpu.dma_semaphore, #tpu.memory_space<semaphore_mem>>
        tpu.enqueue_indirect_dma source(%dma_start3A_153 : memref<10000x128xf32, #tpu.memory_space<hbm>>) target(%dma_start3A_147 : memref<80x128xf32, #tpu.memory_space<vmem>>) offsets(%dma_start3A_150 : memref<80xi32, #tpu.memory_space<vmem>>) semaphore(%dma_start3A_155 : memref<!tpu.dma_semaphore, #tpu.memory_space<semaphore_mem>>)
      } else {
      }
      %add3A_106 = arith.addi %mul3A_2, %scan3A_97 : i32
      %mul3A_107 = arith.constant 80 : i32
      %mul3A_108 = arith.muli %add3A_106, %mul3A_107 : i32
      %dma_wait3A = arith.constant 0 : i32
      %dma_wait3A_109 = arith.constant 0 : i32
      %dma_wait3A_110 = tpu.memref_slice %arg9[%rem3A_98, %dma_wait3A, %dma_wait3A_109] : memref<4x80x128xf32, #tpu.memory_space<vmem>> -> memref<1x80x128xf32, #tpu.memory_space<vmem>>
      %dma_wait3A_111 = tpu.memref_squeeze %dma_wait3A_110 : memref<1x80x128xf32, #tpu.memory_space<vmem>> -> memref<80x128xf32, #tpu.memory_space<vmem>>
      %dma_wait3A_112 = arith.constant 0 : i32
      %dma_wait3A_113 = tpu.memref_slice %arg7[%scan3A_97, %dma_wait3A_112] : memref<125x80xi32, #tpu.memory_space<vmem>> -> memref<1x80xi32, #tpu.memory_space<vmem>>
      %dma_wait3A_114 = tpu.memref_squeeze %dma_wait3A_113 : memref<1x80xi32, #tpu.memory_space<vmem>> -> memref<80xi32, #tpu.memory_space<vmem>>
      %dma_wait3A_115 = arith.constant 0 : i32
      %dma_wait3A_116 = arith.constant 0 : i32
      %dma_wait3A_117 = tpu.memref_slice %arg2[%dma_wait3A_115, %dma_wait3A_116] : memref<10000x128xf32, #tpu.memory_space<hbm>> -> memref<10000x128xf32, #tpu.memory_space<hbm>>
      %dma_wait3A_118 = tpu.memref_slice %arg11[%rem3A_98] : memref<4x!tpu.dma_semaphore, #tpu.memory_space<semaphore_mem>> -> memref<1x!tpu.dma_semaphore, #tpu.memory_space<semaphore_mem>>
      %dma_wait3A_119 = tpu.memref_squeeze %dma_wait3A_118 : memref<1x!tpu.dma_semaphore, #tpu.memory_space<semaphore_mem>> -> memref<!tpu.dma_semaphore, #tpu.memory_space<semaphore_mem>>
      tpu.wait_indirect_dma semaphore(%dma_wait3A_119 : memref<!tpu.dma_semaphore, #tpu.memory_space<semaphore_mem>>) src(%dma_wait3A_117 : memref<10000x128xf32, #tpu.memory_space<hbm>>) dst(%dma_wait3A_111 : memref<80x128xf32, #tpu.memory_space<vmem>>)
      "tpu.region"() ({
        %run_scoped3A = tpu.sem_alloc : memref<!tpu.dma_semaphore, #tpu.memory_space<semaphore_mem>>
        %dma_start3A_132 = arith.constant 0 : i32
        %dma_start3A_133 = arith.constant 0 : i32
        %dma_start3A_134 = tpu.memref_slice %arg9[%rem3A_98, %dma_start3A_132, %dma_start3A_133] : memref<4x80x128xf32, #tpu.memory_space<vmem>> -> memref<1x80x128xf32, #tpu.memory_space<vmem>>
        %dma_start3A_135 = tpu.memref_squeeze %dma_start3A_134 : memref<1x80x128xf32, #tpu.memory_space<vmem>> -> memref<80x128xf32, #tpu.memory_space<vmem>>
        %dma_start3A_136 = arith.constant 0 : i32
        %dma_start3A_137 = tpu.memref_slice %arg5[%mul3A_108, %dma_start3A_136] : memref<320000x128xf32, #tpu.memory_space<hbm>> -> memref<80x128xf32, #tpu.memory_space<hbm>>
        %dma_start3A_138 = arith.constant 0 : i32
        %dma_start3A_139 = tpu.memref_slice %arg5[%mul3A_108, %dma_start3A_138] : memref<320000x128xf32, #tpu.memory_space<hbm>> -> memref<80x128xf32, #tpu.memory_space<hbm>>
        %dma_start3A_140 = arith.constant 0 : i32
        %dma_start3A_141 = arith.constant 0 : i32
        %dma_start3A_142 = tpu.memref_slice %arg9[%rem3A_98, %dma_start3A_140, %dma_start3A_141] : memref<4x80x128xf32, #tpu.memory_space<vmem>> -> memref<1x80x128xf32, #tpu.memory_space<vmem>>
        %dma_start3A_143 = tpu.memref_squeeze %dma_start3A_142 : memref<1x80x128xf32, #tpu.memory_space<vmem>> -> memref<80x128xf32, #tpu.memory_space<vmem>>
        tpu.enqueue_dma source(%dma_start3A_143 : memref<80x128xf32, #tpu.memory_space<vmem>>) target(%dma_start3A_139 : memref<80x128xf32, #tpu.memory_space<hbm>>) target_semaphore(%run_scoped3A : memref<!tpu.dma_semaphore, #tpu.memory_space<semaphore_mem>>)
        %dma_wait3A_144 = arith.constant 0 : i32
        %dma_wait3A_145 = arith.constant 0 : i32
        %dma_wait3A_146 = tpu.memref_slice %arg9[%rem3A_98, %dma_wait3A_144, %dma_wait3A_145] : memref<4x80x128xf32, #tpu.memory_space<vmem>> -> memref<1x80x128xf32, #tpu.memory_space<vmem>>
        %dma_wait3A_147 = tpu.memref_squeeze %dma_wait3A_146 : memref<1x80x128xf32, #tpu.memory_space<vmem>> -> memref<80x128xf32, #tpu.memory_space<vmem>>
        %dma_wait3A_148 = arith.constant 0 : i32
        %dma_wait3A_149 = tpu.memref_slice %arg5[%mul3A_108, %dma_wait3A_148] : memref<320000x128xf32, #tpu.memory_space<hbm>> -> memref<80x128xf32, #tpu.memory_space<hbm>>
        %dma_wait3A_150 = arith.constant 0 : i32
        %dma_wait3A_151 = tpu.memref_slice %arg5[%mul3A_108, %dma_wait3A_150] : memref<320000x128xf32, #tpu.memory_space<hbm>> -> memref<80x128xf32, #tpu.memory_space<hbm>>
        %dma_wait3A_152 = arith.constant 0 : i32
        %dma_wait3A_153 = arith.constant 0 : i32
        %dma_wait3A_154 = tpu.memref_slice %arg9[%rem3A_98, %dma_wait3A_152, %dma_wait3A_153] : memref<4x80x128xf32, #tpu.memory_space<vmem>> -> memref<1x80x128xf32, #tpu.memory_space<vmem>>
        %dma_wait3A_155 = tpu.memref_squeeze %dma_wait3A_154 : memref<1x80x128xf32, #tpu.memory_space<vmem>> -> memref<80x128xf32, #tpu.memory_space<vmem>>
        tpu.wait_dma2 semaphore(%run_scoped3A : memref<!tpu.dma_semaphore, #tpu.memory_space<semaphore_mem>>) src(%dma_wait3A_155 : memref<80x128xf32, #tpu.memory_space<vmem>>) dst(%dma_wait3A_151 : memref<80x128xf32, #tpu.memory_space<hbm>>)
        tpu.yield
      }) : () -> ()
      %dma_wait3A_120 = arith.constant 0 : i32
      %dma_wait3A_121 = arith.constant 0 : i32
      %dma_wait3A_122 = tpu.memref_slice %arg10[%rem3A_98, %dma_wait3A_120, %dma_wait3A_121] : memref<4x80x128xf32, #tpu.memory_space<vmem>> -> memref<1x80x128xf32, #tpu.memory_space<vmem>>
      %dma_wait3A_123 = tpu.memref_squeeze %dma_wait3A_122 : memref<1x80x128xf32, #tpu.memory_space<vmem>> -> memref<80x128xf32, #tpu.memory_space<vmem>>
      %dma_wait3A_124 = arith.constant 0 : i32
      %dma_wait3A_125 = tpu.memref_slice %arg8[%scan3A_97, %dma_wait3A_124] : memref<125x80xi32, #tpu.memory_space<vmem>> -> memref<1x80xi32, #tpu.memory_space<vmem>>
      %dma_wait3A_126 = tpu.memref_squeeze %dma_wait3A_125 : memref<1x80xi32, #tpu.memory_space<vmem>> -> memref<80xi32, #tpu.memory_space<vmem>>
      %dma_wait3A_127 = arith.constant 0 : i32
      %dma_wait3A_128 = arith.constant 0 : i32
      %dma_wait3A_129 = tpu.memref_slice %arg2[%dma_wait3A_127, %dma_wait3A_128] : memref<10000x128xf32, #tpu.memory_space<hbm>> -> memref<10000x128xf32, #tpu.memory_space<hbm>>
      %dma_wait3A_130 = tpu.memref_slice %arg12[%rem3A_98] : memref<4x!tpu.dma_semaphore, #tpu.memory_space<semaphore_mem>> -> memref<1x!tpu.dma_semaphore, #tpu.memory_space<semaphore_mem>>
      %dma_wait3A_131 = tpu.memref_squeeze %dma_wait3A_130 : memref<1x!tpu.dma_semaphore, #tpu.memory_space<semaphore_mem>> -> memref<!tpu.dma_semaphore, #tpu.memory_space<semaphore_mem>>
      tpu.wait_indirect_dma semaphore(%dma_wait3A_131 : memref<!tpu.dma_semaphore, #tpu.memory_space<semaphore_mem>>) src(%dma_wait3A_129 : memref<10000x128xf32, #tpu.memory_space<hbm>>) dst(%dma_wait3A_123 : memref<80x128xf32, #tpu.memory_space<vmem>>)
      "tpu.region"() ({
        %run_scoped3A = tpu.sem_alloc : memref<!tpu.dma_semaphore, #tpu.memory_space<semaphore_mem>>
        %dma_start3A_132 = arith.constant 0 : i32
        %dma_start3A_133 = arith.constant 0 : i32
        %dma_start3A_134 = tpu.memref_slice %arg10[%rem3A_98, %dma_start3A_132, %dma_start3A_133] : memref<4x80x128xf32, #tpu.memory_space<vmem>> -> memref<1x80x128xf32, #tpu.memory_space<vmem>>
        %dma_start3A_135 = tpu.memref_squeeze %dma_start3A_134 : memref<1x80x128xf32, #tpu.memory_space<vmem>> -> memref<80x128xf32, #tpu.memory_space<vmem>>
        %dma_start3A_136 = arith.constant 0 : i32
        %dma_start3A_137 = tpu.memref_slice %arg6[%mul3A_108, %dma_start3A_136] : memref<320000x128xf32, #tpu.memory_space<hbm>> -> memref<80x128xf32, #tpu.memory_space<hbm>>
        %dma_start3A_138 = arith.constant 0 : i32
        %dma_start3A_139 = tpu.memref_slice %arg6[%mul3A_108, %dma_start3A_138] : memref<320000x128xf32, #tpu.memory_space<hbm>> -> memref<80x128xf32, #tpu.memory_space<hbm>>
        %dma_start3A_140 = arith.constant 0 : i32
        %dma_start3A_141 = arith.constant 0 : i32
        %dma_start3A_142 = tpu.memref_slice %arg10[%rem3A_98, %dma_start3A_140, %dma_start3A_141] : memref<4x80x128xf32, #tpu.memory_space<vmem>> -> memref<1x80x128xf32, #tpu.memory_space<vmem>>
        %dma_start3A_143 = tpu.memref_squeeze %dma_start3A_142 : memref<1x80x128xf32, #tpu.memory_space<vmem>> -> memref<80x128xf32, #tpu.memory_space<vmem>>
        tpu.enqueue_dma source(%dma_start3A_143 : memref<80x128xf32, #tpu.memory_space<vmem>>) target(%dma_start3A_139 : memref<80x128xf32, #tpu.memory_space<hbm>>) target_semaphore(%run_scoped3A : memref<!tpu.dma_semaphore, #tpu.memory_space<semaphore_mem>>)
        %dma_wait3A_144 = arith.constant 0 : i32
        %dma_wait3A_145 = arith.constant 0 : i32
        %dma_wait3A_146 = tpu.memref_slice %arg10[%rem3A_98, %dma_wait3A_144, %dma_wait3A_145] : memref<4x80x128xf32, #tpu.memory_space<vmem>> -> memref<1x80x128xf32, #tpu.memory_space<vmem>>
        %dma_wait3A_147 = tpu.memref_squeeze %dma_wait3A_146 : memref<1x80x128xf32, #tpu.memory_space<vmem>> -> memref<80x128xf32, #tpu.memory_space<vmem>>
        %dma_wait3A_148 = arith.constant 0 : i32
        %dma_wait3A_149 = tpu.memref_slice %arg6[%mul3A_108, %dma_wait3A_148] : memref<320000x128xf32, #tpu.memory_space<hbm>> -> memref<80x128xf32, #tpu.memory_space<hbm>>
        %dma_wait3A_150 = arith.constant 0 : i32
        %dma_wait3A_151 = tpu.memref_slice %arg6[%mul3A_108, %dma_wait3A_150] : memref<320000x128xf32, #tpu.memory_space<hbm>> -> memref<80x128xf32, #tpu.memory_space<hbm>>
        %dma_wait3A_152 = arith.constant 0 : i32
        %dma_wait3A_153 = arith.constant 0 : i32
        %dma_wait3A_154 = tpu.memref_slice %arg10[%rem3A_98, %dma_wait3A_152, %dma_wait3A_153] : memref<4x80x128xf32, #tpu.memory_space<vmem>> -> memref<1x80x128xf32, #tpu.memory_space<vmem>>
        %dma_wait3A_155 = tpu.memref_squeeze %dma_wait3A_154 : memref<1x80x128xf32, #tpu.memory_space<vmem>> -> memref<80x128xf32, #tpu.memory_space<vmem>>
        tpu.wait_dma2 semaphore(%run_scoped3A : memref<!tpu.dma_semaphore, #tpu.memory_space<semaphore_mem>>) src(%dma_wait3A_155 : memref<80x128xf32, #tpu.memory_space<vmem>>) dst(%dma_wait3A_151 : memref<80x128xf32, #tpu.memory_space<hbm>>)
        tpu.yield
      }) : () -> ()
    }
    %scan3A_96 = arith.constant 125 : i32
    return
  }
}

#map = affine_map<(d0, d1) -> (0, 0, 0)>
#map1 = affine_map<(d0, d1) -> (0, 0)>
module attributes {stable_mosaic.version = 14 : i64} {
  func.func @body_fn(%arg0: i32, %arg1: i32, %arg2: memref<32x125x80xi32, #tpu.memory_space<hbm>>, %arg3: memref<320000x8xf32, #tpu.memory_space<hbm>>, %arg4: memref<10112x8xf32, #tpu.memory_space<hbm>>, %arg5: memref<2x10112x8xf32, #tpu.memory_space<hbm>>, %arg6: memref<125x80xi32, #tpu.memory_space<vmem>>, %arg7: memref<80x8xf32, #tpu.memory_space<vmem>>, %arg8: memref<80x8xf32, #tpu.memory_space<vmem>>, %arg9: memref<10112x8xf32, #tpu.memory_space<vmem_shared>>, %arg10: memref<!tpu.dma_semaphore, #tpu.memory_space<semaphore_mem>>, %arg11: memref<!tpu.dma_semaphore, #tpu.memory_space<semaphore_mem>>) attributes {dimension_semantics = [#tpu.dimension_semantics<core_parallel>, #tpu.dimension_semantics<subcore_parallel>], iteration_bounds = array<i64: 2, 16>, scalar_prefetch = 0 : i64, scratch_operands = 6 : i64, tpu.core_type = #tpu.core_type<sc_vector_subcore>, window_params = [{transform_indices = #map}, {transform_indices = #map1}, {transform_indices = #map1}, {transform_indices = #map}]} {
    %mul3A = arith.constant 2 : i32
    %mul3A_0 = arith.muli %arg1, %mul3A : i32
    %add3A = arith.addi %mul3A_0, %arg0 : i32
    %mul3A_1 = arith.constant 125 : i32
    %mul3A_2 = arith.muli %add3A, %mul3A_1 : i32
    %mul3A_3 = arith.constant 632 : i32
    %mul3A_4 = arith.muli %arg1, %mul3A_3 : i32
    "tpu.region"() ({
      %run_scoped3A_25 = tpu.sem_alloc : memref<!tpu.dma_semaphore, #tpu.memory_space<semaphore_mem>>
      %dma_start3A_26 = arith.constant 0 : i32
      %dma_start3A_27 = tpu.memref_slice %arg9[%mul3A_4, %dma_start3A_26] : memref<10112x8xf32, #tpu.memory_space<vmem_shared>> -> memref<632x8xf32, #tpu.memory_space<vmem_shared>>
      %dma_start3A_28 = arith.constant 0 : i32
      %dma_start3A_29 = tpu.memref_slice %arg4[%mul3A_4, %dma_start3A_28] : memref<10112x8xf32, #tpu.memory_space<hbm>> -> memref<632x8xf32, #tpu.memory_space<hbm>>
      tpu.enqueue_dma source(%dma_start3A_29 : memref<632x8xf32, #tpu.memory_space<hbm>>) target(%dma_start3A_27 : memref<632x8xf32, #tpu.memory_space<vmem_shared>>) target_semaphore(%run_scoped3A_25 : memref<!tpu.dma_semaphore, #tpu.memory_space<semaphore_mem>>)
      %dma_wait3A_30 = arith.constant 0 : i32
      %dma_wait3A_31 = tpu.memref_slice %arg9[%mul3A_4, %dma_wait3A_30] : memref<10112x8xf32, #tpu.memory_space<vmem_shared>> -> memref<632x8xf32, #tpu.memory_space<vmem_shared>>
      %dma_wait3A_32 = arith.constant 0 : i32
      %dma_wait3A_33 = tpu.memref_slice %arg4[%mul3A_4, %dma_wait3A_32] : memref<10112x8xf32, #tpu.memory_space<hbm>> -> memref<632x8xf32, #tpu.memory_space<hbm>>
      tpu.wait_dma2 semaphore(%run_scoped3A_25 : memref<!tpu.dma_semaphore, #tpu.memory_space<semaphore_mem>>) src(%dma_wait3A_33 : memref<632x8xf32, #tpu.memory_space<hbm>>) dst(%dma_wait3A_31 : memref<632x8xf32, #tpu.memory_space<vmem_shared>>)
      tpu.yield
    }) : () -> ()
    "tpu.region"() ({
      %run_scoped3A_25 = tpu.sem_alloc : memref<!tpu.dma_semaphore, #tpu.memory_space<semaphore_mem>>
      %dma_start3A_26 = arith.constant 0 : i32
      %dma_start3A_27 = arith.constant 0 : i32
      %dma_start3A_28 = tpu.memref_slice %arg2[%add3A, %dma_start3A_26, %dma_start3A_27] : memref<32x125x80xi32, #tpu.memory_space<hbm>> -> memref<1x125x80xi32, #tpu.memory_space<hbm>>
      %dma_start3A_29 = tpu.memref_squeeze %dma_start3A_28 : memref<1x125x80xi32, #tpu.memory_space<hbm>> -> memref<125x80xi32, #tpu.memory_space<hbm>>
      %dma_start3A_30 = arith.constant 0 : i32
      %dma_start3A_31 = arith.constant 0 : i32
      %dma_start3A_32 = tpu.memref_slice %arg2[%add3A, %dma_start3A_30, %dma_start3A_31] : memref<32x125x80xi32, #tpu.memory_space<hbm>> -> memref<1x125x80xi32, #tpu.memory_space<hbm>>
      %dma_start3A_33 = tpu.memref_squeeze %dma_start3A_32 : memref<1x125x80xi32, #tpu.memory_space<hbm>> -> memref<125x80xi32, #tpu.memory_space<hbm>>
      tpu.enqueue_dma source(%dma_start3A_33 : memref<125x80xi32, #tpu.memory_space<hbm>>) target(%arg6 : memref<125x80xi32, #tpu.memory_space<vmem>>) target_semaphore(%run_scoped3A_25 : memref<!tpu.dma_semaphore, #tpu.memory_space<semaphore_mem>>)
      %dma_wait3A_34 = arith.constant 0 : i32
      %dma_wait3A_35 = arith.constant 0 : i32
      %dma_wait3A_36 = tpu.memref_slice %arg2[%add3A, %dma_wait3A_34, %dma_wait3A_35] : memref<32x125x80xi32, #tpu.memory_space<hbm>> -> memref<1x125x80xi32, #tpu.memory_space<hbm>>
      %dma_wait3A_37 = tpu.memref_squeeze %dma_wait3A_36 : memref<1x125x80xi32, #tpu.memory_space<hbm>> -> memref<125x80xi32, #tpu.memory_space<hbm>>
      %dma_wait3A_38 = arith.constant 0 : i32
      %dma_wait3A_39 = arith.constant 0 : i32
      %dma_wait3A_40 = tpu.memref_slice %arg2[%add3A, %dma_wait3A_38, %dma_wait3A_39] : memref<32x125x80xi32, #tpu.memory_space<hbm>> -> memref<1x125x80xi32, #tpu.memory_space<hbm>>
      %dma_wait3A_41 = tpu.memref_squeeze %dma_wait3A_40 : memref<1x125x80xi32, #tpu.memory_space<hbm>> -> memref<125x80xi32, #tpu.memory_space<hbm>>
      tpu.wait_dma2 semaphore(%run_scoped3A_25 : memref<!tpu.dma_semaphore, #tpu.memory_space<semaphore_mem>>) src(%dma_wait3A_41 : memref<125x80xi32, #tpu.memory_space<hbm>>) dst(%arg6 : memref<125x80xi32, #tpu.memory_space<vmem>>)
      tpu.yield
    }) : () -> ()
    %barrier3A = arith.constant 0 : index
    tpu.barrier barrier_id(%barrier3A)
    %add3A_5 = arith.constant 0 : i32
    %add3A_6 = arith.addi %mul3A_2, %add3A_5 : i32
    %mul3A_7 = arith.constant 80 : i32
    %mul3A_8 = arith.muli %add3A_6, %mul3A_7 : i32
    %dma_start3A = arith.constant 0 : i32
    %dma_start3A_9 = tpu.memref_slice %arg3[%mul3A_8, %dma_start3A] : memref<320000x8xf32, #tpu.memory_space<hbm>> -> memref<80x8xf32, #tpu.memory_space<hbm>>
    %dma_start3A_10 = arith.constant 0 : i32
    %dma_start3A_11 = tpu.memref_slice %arg3[%mul3A_8, %dma_start3A_10] : memref<320000x8xf32, #tpu.memory_space<hbm>> -> memref<80x8xf32, #tpu.memory_space<hbm>>
    tpu.enqueue_dma source(%dma_start3A_11 : memref<80x8xf32, #tpu.memory_space<hbm>>) target(%arg7 : memref<80x8xf32, #tpu.memory_space<vmem>>) target_semaphore(%arg10 : memref<!tpu.dma_semaphore, #tpu.memory_space<semaphore_mem>>)
    %scan3A = arith.constant 0 : i32
    %scan3A_12 = arith.constant 0 : i32
    %scan3A_13 = arith.constant 62 : i32
    %scan3A_14 = arith.addi %scan3A_12, %scan3A_13 : i32
    %scan3A_15 = arith.constant 1 : i32
    scf.for %scan3A_25 = %scan3A_12 to %scan3A_14 step %scan3A_15  : i32 {
      %mul3A_26 = arith.constant 2 : i32
      %mul3A_27 = arith.muli %mul3A_26, %scan3A_25 : i32
      %add3A_28 = arith.constant 1 : i32
      %add3A_29 = arith.addi %mul3A_27, %add3A_28 : i32
      %add3A_30 = arith.addi %mul3A_2, %add3A_29 : i32
      %mul3A_31 = arith.constant 80 : i32
      %mul3A_32 = arith.muli %add3A_30, %mul3A_31 : i32
      %dma_start3A_33 = arith.constant 0 : i32
      %dma_start3A_34 = tpu.memref_slice %arg3[%mul3A_32, %dma_start3A_33] : memref<320000x8xf32, #tpu.memory_space<hbm>> -> memref<80x8xf32, #tpu.memory_space<hbm>>
      %dma_start3A_35 = arith.constant 0 : i32
      %dma_start3A_36 = tpu.memref_slice %arg3[%mul3A_32, %dma_start3A_35] : memref<320000x8xf32, #tpu.memory_space<hbm>> -> memref<80x8xf32, #tpu.memory_space<hbm>>
      tpu.enqueue_dma source(%dma_start3A_36 : memref<80x8xf32, #tpu.memory_space<hbm>>) target(%arg8 : memref<80x8xf32, #tpu.memory_space<vmem>>) target_semaphore(%arg11 : memref<!tpu.dma_semaphore, #tpu.memory_space<semaphore_mem>>)
      %add3A_37 = arith.addi %mul3A_2, %mul3A_27 : i32
      %mul3A_38 = arith.constant 80 : i32
      %mul3A_39 = arith.muli %add3A_37, %mul3A_38 : i32
      %dma_wait3A_40 = arith.constant 0 : i32
      %dma_wait3A_41 = tpu.memref_slice %arg3[%mul3A_39, %dma_wait3A_40] : memref<320000x8xf32, #tpu.memory_space<hbm>> -> memref<80x8xf32, #tpu.memory_space<hbm>>
      %dma_wait3A_42 = arith.constant 0 : i32
      %dma_wait3A_43 = tpu.memref_slice %arg3[%mul3A_39, %dma_wait3A_42] : memref<320000x8xf32, #tpu.memory_space<hbm>> -> memref<80x8xf32, #tpu.memory_space<hbm>>
      tpu.wait_dma2 semaphore(%arg10 : memref<!tpu.dma_semaphore, #tpu.memory_space<semaphore_mem>>) src(%dma_wait3A_43 : memref<80x8xf32, #tpu.memory_space<hbm>>) dst(%arg7 : memref<80x8xf32, #tpu.memory_space<vmem>>)
      "tpu.region"() ({
        %run_scoped3A_60 = tpu.sem_alloc : memref<!tpu.dma_semaphore, #tpu.memory_space<semaphore_mem>>
        %dma_start3A_61 = arith.constant 0 : i32
        %dma_start3A_62 = tpu.memref_slice %arg6[%mul3A_27, %dma_start3A_61] : memref<125x80xi32, #tpu.memory_space<vmem>> -> memref<1x80xi32, #tpu.memory_space<vmem>>
        %dma_start3A_63 = tpu.memref_squeeze %dma_start3A_62 : memref<1x80xi32, #tpu.memory_space<vmem>> -> memref<80xi32, #tpu.memory_space<vmem>>
        %dma_start3A_64 = arith.constant 0 : i32
        %dma_start3A_65 = arith.constant 0 : i32
        %dma_start3A_66 = tpu.memref_slice %arg9[%dma_start3A_64, %dma_start3A_65] : memref<10112x8xf32, #tpu.memory_space<vmem_shared>> -> memref<10112x8xf32, #tpu.memory_space<vmem_shared>>
        tpu.enqueue_indirect_dma source(%arg7 : memref<80x8xf32, #tpu.memory_space<vmem>>) target(%dma_start3A_66 : memref<10112x8xf32, #tpu.memory_space<vmem_shared>>) offsets(%dma_start3A_63 : memref<80xi32, #tpu.memory_space<vmem>>) semaphore(%run_scoped3A_60 : memref<!tpu.dma_semaphore, #tpu.memory_space<semaphore_mem>>) {add = true}
        %dma_wait3A_67 = arith.constant 0 : i32
        %dma_wait3A_68 = tpu.memref_slice %arg6[%mul3A_27, %dma_wait3A_67] : memref<125x80xi32, #tpu.memory_space<vmem>> -> memref<1x80xi32, #tpu.memory_space<vmem>>
        %dma_wait3A_69 = tpu.memref_squeeze %dma_wait3A_68 : memref<1x80xi32, #tpu.memory_space<vmem>> -> memref<80xi32, #tpu.memory_space<vmem>>
        %dma_wait3A_70 = arith.constant 0 : i32
        %dma_wait3A_71 = arith.constant 0 : i32
        %dma_wait3A_72 = tpu.memref_slice %arg9[%dma_wait3A_70, %dma_wait3A_71] : memref<10112x8xf32, #tpu.memory_space<vmem_shared>> -> memref<10112x8xf32, #tpu.memory_space<vmem_shared>>
        tpu.wait_indirect_dma semaphore(%run_scoped3A_60 : memref<!tpu.dma_semaphore, #tpu.memory_space<semaphore_mem>>) src(%arg7 : memref<80x8xf32, #tpu.memory_space<vmem>>) dst(%dma_wait3A_72 : memref<10112x8xf32, #tpu.memory_space<vmem_shared>>)
        tpu.yield
      }) : () -> ()
      %add3A_44 = arith.constant 2 : i32
      %add3A_45 = arith.addi %mul3A_27, %add3A_44 : i32
      %add3A_46 = arith.addi %mul3A_2, %add3A_45 : i32
      %mul3A_47 = arith.constant 80 : i32
      %mul3A_48 = arith.muli %add3A_46, %mul3A_47 : i32
      %dma_start3A_49 = arith.constant 0 : i32
      %dma_start3A_50 = tpu.memref_slice %arg3[%mul3A_48, %dma_start3A_49] : memref<320000x8xf32, #tpu.memory_space<hbm>> -> memref<80x8xf32, #tpu.memory_space<hbm>>
      %dma_start3A_51 = arith.constant 0 : i32
      %dma_start3A_52 = tpu.memref_slice %arg3[%mul3A_48, %dma_start3A_51] : memref<320000x8xf32, #tpu.memory_space<hbm>> -> memref<80x8xf32, #tpu.memory_space<hbm>>
      tpu.enqueue_dma source(%dma_start3A_52 : memref<80x8xf32, #tpu.memory_space<hbm>>) target(%arg7 : memref<80x8xf32, #tpu.memory_space<vmem>>) target_semaphore(%arg10 : memref<!tpu.dma_semaphore, #tpu.memory_space<semaphore_mem>>)
      %add3A_53 = arith.addi %mul3A_2, %add3A_29 : i32
      %mul3A_54 = arith.constant 80 : i32
      %mul3A_55 = arith.muli %add3A_53, %mul3A_54 : i32
      %dma_wait3A_56 = arith.constant 0 : i32
      %dma_wait3A_57 = tpu.memref_slice %arg3[%mul3A_55, %dma_wait3A_56] : memref<320000x8xf32, #tpu.memory_space<hbm>> -> memref<80x8xf32, #tpu.memory_space<hbm>>
      %dma_wait3A_58 = arith.constant 0 : i32
      %dma_wait3A_59 = tpu.memref_slice %arg3[%mul3A_55, %dma_wait3A_58] : memref<320000x8xf32, #tpu.memory_space<hbm>> -> memref<80x8xf32, #tpu.memory_space<hbm>>
      tpu.wait_dma2 semaphore(%arg11 : memref<!tpu.dma_semaphore, #tpu.memory_space<semaphore_mem>>) src(%dma_wait3A_59 : memref<80x8xf32, #tpu.memory_space<hbm>>) dst(%arg8 : memref<80x8xf32, #tpu.memory_space<vmem>>)
      "tpu.region"() ({
        %run_scoped3A_60 = tpu.sem_alloc : memref<!tpu.dma_semaphore, #tpu.memory_space<semaphore_mem>>
        %dma_start3A_61 = arith.constant 0 : i32
        %dma_start3A_62 = tpu.memref_slice %arg6[%add3A_29, %dma_start3A_61] : memref<125x80xi32, #tpu.memory_space<vmem>> -> memref<1x80xi32, #tpu.memory_space<vmem>>
        %dma_start3A_63 = tpu.memref_squeeze %dma_start3A_62 : memref<1x80xi32, #tpu.memory_space<vmem>> -> memref<80xi32, #tpu.memory_space<vmem>>
        %dma_start3A_64 = arith.constant 0 : i32
        %dma_start3A_65 = arith.constant 0 : i32
        %dma_start3A_66 = tpu.memref_slice %arg9[%dma_start3A_64, %dma_start3A_65] : memref<10112x8xf32, #tpu.memory_space<vmem_shared>> -> memref<10112x8xf32, #tpu.memory_space<vmem_shared>>
        tpu.enqueue_indirect_dma source(%arg8 : memref<80x8xf32, #tpu.memory_space<vmem>>) target(%dma_start3A_66 : memref<10112x8xf32, #tpu.memory_space<vmem_shared>>) offsets(%dma_start3A_63 : memref<80xi32, #tpu.memory_space<vmem>>) semaphore(%run_scoped3A_60 : memref<!tpu.dma_semaphore, #tpu.memory_space<semaphore_mem>>) {add = true}
        %dma_wait3A_67 = arith.constant 0 : i32
        %dma_wait3A_68 = tpu.memref_slice %arg6[%add3A_29, %dma_wait3A_67] : memref<125x80xi32, #tpu.memory_space<vmem>> -> memref<1x80xi32, #tpu.memory_space<vmem>>
        %dma_wait3A_69 = tpu.memref_squeeze %dma_wait3A_68 : memref<1x80xi32, #tpu.memory_space<vmem>> -> memref<80xi32, #tpu.memory_space<vmem>>
        %dma_wait3A_70 = arith.constant 0 : i32
        %dma_wait3A_71 = arith.constant 0 : i32
        %dma_wait3A_72 = tpu.memref_slice %arg9[%dma_wait3A_70, %dma_wait3A_71] : memref<10112x8xf32, #tpu.memory_space<vmem_shared>> -> memref<10112x8xf32, #tpu.memory_space<vmem_shared>>
        tpu.wait_indirect_dma semaphore(%run_scoped3A_60 : memref<!tpu.dma_semaphore, #tpu.memory_space<semaphore_mem>>) src(%arg8 : memref<80x8xf32, #tpu.memory_space<vmem>>) dst(%dma_wait3A_72 : memref<10112x8xf32, #tpu.memory_space<vmem_shared>>)
        tpu.yield
      }) : () -> ()
    }
    %scan3A_16 = arith.constant 62 : i32
    %add3A_17 = arith.constant 124 : i32
    %add3A_18 = arith.addi %mul3A_2, %add3A_17 : i32
    %mul3A_19 = arith.constant 80 : i32
    %mul3A_20 = arith.muli %add3A_18, %mul3A_19 : i32
    %dma_wait3A = arith.constant 0 : i32
    %dma_wait3A_21 = tpu.memref_slice %arg3[%mul3A_20, %dma_wait3A] : memref<320000x8xf32, #tpu.memory_space<hbm>> -> memref<80x8xf32, #tpu.memory_space<hbm>>
    %dma_wait3A_22 = arith.constant 0 : i32
    %dma_wait3A_23 = tpu.memref_slice %arg3[%mul3A_20, %dma_wait3A_22] : memref<320000x8xf32, #tpu.memory_space<hbm>> -> memref<80x8xf32, #tpu.memory_space<hbm>>
    tpu.wait_dma2 semaphore(%arg10 : memref<!tpu.dma_semaphore, #tpu.memory_space<semaphore_mem>>) src(%dma_wait3A_23 : memref<80x8xf32, #tpu.memory_space<hbm>>) dst(%arg7 : memref<80x8xf32, #tpu.memory_space<vmem>>)
    %run_scoped3A = arith.constant 124 : i32
    "tpu.region"() ({
      %run_scoped3A_25 = tpu.sem_alloc : memref<!tpu.dma_semaphore, #tpu.memory_space<semaphore_mem>>
      %dma_start3A_26 = arith.constant 0 : i32
      %dma_start3A_27 = tpu.memref_slice %arg6[%run_scoped3A, %dma_start3A_26] : memref<125x80xi32, #tpu.memory_space<vmem>> -> memref<1x80xi32, #tpu.memory_space<vmem>>
      %dma_start3A_28 = tpu.memref_squeeze %dma_start3A_27 : memref<1x80xi32, #tpu.memory_space<vmem>> -> memref<80xi32, #tpu.memory_space<vmem>>
      %dma_start3A_29 = arith.constant 0 : i32
      %dma_start3A_30 = arith.constant 0 : i32
      %dma_start3A_31 = tpu.memref_slice %arg9[%dma_start3A_29, %dma_start3A_30] : memref<10112x8xf32, #tpu.memory_space<vmem_shared>> -> memref<10112x8xf32, #tpu.memory_space<vmem_shared>>
      tpu.enqueue_indirect_dma source(%arg7 : memref<80x8xf32, #tpu.memory_space<vmem>>) target(%dma_start3A_31 : memref<10112x8xf32, #tpu.memory_space<vmem_shared>>) offsets(%dma_start3A_28 : memref<80xi32, #tpu.memory_space<vmem>>) semaphore(%run_scoped3A_25 : memref<!tpu.dma_semaphore, #tpu.memory_space<semaphore_mem>>) {add = true}
      %dma_wait3A_32 = arith.constant 0 : i32
      %dma_wait3A_33 = tpu.memref_slice %arg6[%run_scoped3A, %dma_wait3A_32] : memref<125x80xi32, #tpu.memory_space<vmem>> -> memref<1x80xi32, #tpu.memory_space<vmem>>
      %dma_wait3A_34 = tpu.memref_squeeze %dma_wait3A_33 : memref<1x80xi32, #tpu.memory_space<vmem>> -> memref<80xi32, #tpu.memory_space<vmem>>
      %dma_wait3A_35 = arith.constant 0 : i32
      %dma_wait3A_36 = arith.constant 0 : i32
      %dma_wait3A_37 = tpu.memref_slice %arg9[%dma_wait3A_35, %dma_wait3A_36] : memref<10112x8xf32, #tpu.memory_space<vmem_shared>> -> memref<10112x8xf32, #tpu.memory_space<vmem_shared>>
      tpu.wait_indirect_dma semaphore(%run_scoped3A_25 : memref<!tpu.dma_semaphore, #tpu.memory_space<semaphore_mem>>) src(%arg7 : memref<80x8xf32, #tpu.memory_space<vmem>>) dst(%dma_wait3A_37 : memref<10112x8xf32, #tpu.memory_space<vmem_shared>>)
      tpu.yield
    }) : () -> ()
    %barrier3A_24 = arith.constant 0 : index
    tpu.barrier barrier_id(%barrier3A_24)
    "tpu.region"() ({
      %run_scoped3A_25 = tpu.sem_alloc : memref<!tpu.dma_semaphore, #tpu.memory_space<semaphore_mem>>
      %dma_start3A_26 = arith.constant 0 : i32
      %dma_start3A_27 = tpu.memref_slice %arg5[%arg0, %mul3A_4, %dma_start3A_26] : memref<2x10112x8xf32, #tpu.memory_space<hbm>> -> memref<1x632x8xf32, #tpu.memory_space<hbm>>
      %dma_start3A_28 = tpu.memref_squeeze %dma_start3A_27 : memref<1x632x8xf32, #tpu.memory_space<hbm>> -> memref<632x8xf32, #tpu.memory_space<hbm>>
      %dma_start3A_29 = arith.constant 0 : i32
      %dma_start3A_30 = tpu.memref_slice %arg9[%mul3A_4, %dma_start3A_29] : memref<10112x8xf32, #tpu.memory_space<vmem_shared>> -> memref<632x8xf32, #tpu.memory_space<vmem_shared>>
      tpu.enqueue_dma source(%dma_start3A_30 : memref<632x8xf32, #tpu.memory_space<vmem_shared>>) target(%dma_start3A_28 : memref<632x8xf32, #tpu.memory_space<hbm>>) target_semaphore(%run_scoped3A_25 : memref<!tpu.dma_semaphore, #tpu.memory_space<semaphore_mem>>)
      %dma_wait3A_31 = arith.constant 0 : i32
      %dma_wait3A_32 = tpu.memref_slice %arg5[%arg0, %mul3A_4, %dma_wait3A_31] : memref<2x10112x8xf32, #tpu.memory_space<hbm>> -> memref<1x632x8xf32, #tpu.memory_space<hbm>>
      %dma_wait3A_33 = tpu.memref_squeeze %dma_wait3A_32 : memref<1x632x8xf32, #tpu.memory_space<hbm>> -> memref<632x8xf32, #tpu.memory_space<hbm>>
      %dma_wait3A_34 = arith.constant 0 : i32
      %dma_wait3A_35 = tpu.memref_slice %arg9[%mul3A_4, %dma_wait3A_34] : memref<10112x8xf32, #tpu.memory_space<vmem_shared>> -> memref<632x8xf32, #tpu.memory_space<vmem_shared>>
      tpu.wait_dma2 semaphore(%run_scoped3A_25 : memref<!tpu.dma_semaphore, #tpu.memory_space<semaphore_mem>>) src(%dma_wait3A_35 : memref<632x8xf32, #tpu.memory_space<vmem_shared>>) dst(%dma_wait3A_33 : memref<632x8xf32, #tpu.memory_space<hbm>>)
      tpu.yield
    }) : () -> ()
    return
  }
}

module attributes {stable_mosaic.version = 14 : i64} {
  func.func @_edge_body(%arg0: i32, %arg1: memref<1280x8xf32, #tpu.memory_space<vmem>>, %arg2: memref<1280x1xf32, #tpu.memory_space<vmem>>, %arg3: memref<1280x1xf32, #tpu.memory_space<vmem>>, %arg4: memref<1280x128xf32, #tpu.memory_space<vmem>>, %arg5: memref<1280x128xf32, #tpu.memory_space<vmem>>, %arg6: memref<8x128xbf16, #tpu.memory_space<vmem>>, %arg7: memref<128x128xbf16, #tpu.memory_space<vmem>>, %arg8: memref<128x256xbf16, #tpu.memory_space<vmem>>, %arg9: memref<128x512xbf16, #tpu.memory_space<vmem>>, %arg10: memref<512x8xbf16, #tpu.memory_space<vmem>>, %arg11: memref<8x128xbf16, #tpu.memory_space<vmem>>, %arg12: memref<1280x8xf32, #tpu.memory_space<vmem>>, %arg13: memref<1280x128xf32, #tpu.memory_space<vmem>>) attributes {dimension_semantics = [#tpu.dimension_semantics<arbitrary>], iteration_bounds = array<i64: 250>, scalar_prefetch = 0 : i64, scratch_operands = 0 : i64, tpu.core_type = #tpu.core_type<tc>, window_params = [{transform_indices = @transform_0, window_bounds = array<i64: 1280, 8>}, {transform_indices = @transform_1, window_bounds = array<i64: 1280, 1>}, {transform_indices = @transform_2, window_bounds = array<i64: 1280, 1>}, {transform_indices = @transform_3, window_bounds = array<i64: 1280, 128>}, {transform_indices = @transform_4, window_bounds = array<i64: 1280, 128>}, {pipeline_mode = #tpu.pipeline_mode<synchronous>, transform_indices = @transform_5, window_bounds = array<i64: 8, 128>}, {pipeline_mode = #tpu.pipeline_mode<synchronous>, transform_indices = @transform_6, window_bounds = array<i64: 128, 128>}, {pipeline_mode = #tpu.pipeline_mode<synchronous>, transform_indices = @transform_7, window_bounds = array<i64: 128, 256>}, {pipeline_mode = #tpu.pipeline_mode<synchronous>, transform_indices = @transform_8, window_bounds = array<i64: 128, 512>}, {pipeline_mode = #tpu.pipeline_mode<synchronous>, transform_indices = @transform_9, window_bounds = array<i64: 512, 8>}, {pipeline_mode = #tpu.pipeline_mode<synchronous>, transform_indices = @transform_10, window_bounds = array<i64: 8, 128>}, {transform_indices = @transform_11, window_bounds = array<i64: 1280, 8>}, {transform_indices = @transform_12, window_bounds = array<i64: 1280, 128>}]} {
    %get3A = arith.constant 0 : index
    %get3A_0 = arith.constant 0 : index
    %get3A_1 = vector.load %arg1[%get3A, %get3A_0] : memref<1280x8xf32, #tpu.memory_space<vmem>>, vector<1280x8xf32>
    %convert_element_type3A = arith.truncf %get3A_1 : vector<1280x8xf32> to vector<1280x8xbf16>
    %get3A_2 = arith.constant 0 : index
    %get3A_3 = arith.constant 0 : index
    %get3A_4 = vector.load %arg6[%get3A_2, %get3A_3] : memref<8x128xbf16, #tpu.memory_space<vmem>>, vector<8x128xbf16>
    %dot_general3A = arith.constant dense<0.000000e+00> : vector<1280x128xf32>
    %dot_general3A_5 = tpu.matmul %convert_element_type3A, %get3A_4, %dot_general3A {dimension_numbers = #tpu.dot_dimension_numbers<[1], [0], [0], [1], [0, 0, 1, 1], [], []>, transpose_lhs_hint = false} : vector<1280x8xbf16>, vector<8x128xbf16>, vector<1280x128xf32> -> vector<1280x128xf32>
    %max3A = arith.constant 0.000000e+00 : f32
    %max3A_6 = vector.broadcast %max3A : f32 to vector<1280x128xf32>
    %max3A_7 = arith.maximumf %dot_general3A_5, %max3A_6 : vector<1280x128xf32>
    %convert_element_type3A_8 = arith.truncf %max3A_7 : vector<1280x128xf32> to vector<1280x128xbf16>
    %get3A_9 = arith.constant 0 : index
    %get3A_10 = arith.constant 0 : index
    %get3A_11 = vector.load %arg7[%get3A_9, %get3A_10] : memref<128x128xbf16, #tpu.memory_space<vmem>>, vector<128x128xbf16>
    %dot_general3A_12 = arith.constant dense<0.000000e+00> : vector<1280x128xf32>
    %dot_general3A_13 = tpu.matmul %convert_element_type3A_8, %get3A_11, %dot_general3A_12 {dimension_numbers = #tpu.dot_dimension_numbers<[1], [0], [0], [1], [0, 0, 1, 1], [], []>, transpose_lhs_hint = false} : vector<1280x128xbf16>, vector<128x128xbf16>, vector<1280x128xf32> -> vector<1280x128xf32>
    %max3A_14 = arith.constant 0.000000e+00 : f32
    %max3A_15 = vector.broadcast %max3A_14 : f32 to vector<1280x128xf32>
    %max3A_16 = arith.maximumf %dot_general3A_13, %max3A_15 : vector<1280x128xf32>
    %convert_element_type3A_17 = arith.truncf %max3A_16 : vector<1280x128xf32> to vector<1280x128xbf16>
    %get3A_18 = arith.constant 0 : index
    %get3A_19 = arith.constant 0 : index
    %get3A_20 = vector.load %arg8[%get3A_18, %get3A_19] : memref<128x256xbf16, #tpu.memory_space<vmem>>, vector<128x256xbf16>
    %dot_general3A_21 = arith.constant dense<0.000000e+00> : vector<1280x256xf32>
    %dot_general3A_22 = tpu.matmul %convert_element_type3A_17, %get3A_20, %dot_general3A_21 {dimension_numbers = #tpu.dot_dimension_numbers<[1], [0], [0], [1], [0, 0, 1, 1], [], []>, transpose_lhs_hint = false} : vector<1280x128xbf16>, vector<128x256xbf16>, vector<1280x256xf32> -> vector<1280x256xf32>
    %slice3A = vector.extract_strided_slice %dot_general3A_22 {offsets = [0, 0], sizes = [1280, 128], strides = [1, 1]} : vector<1280x256xf32> to vector<1280x128xf32>
    %slice3A_23 = vector.extract_strided_slice %dot_general3A_22 {offsets = [0, 128], sizes = [1280, 128], strides = [1, 1]} : vector<1280x256xf32> to vector<1280x128xf32>
    %get3A_24 = arith.constant 0 : index
    %get3A_25 = arith.constant 0 : index
    %get3A_26 = vector.load %arg4[%get3A_24, %get3A_25] : memref<1280x128xf32, #tpu.memory_space<vmem>>, vector<1280x128xf32>
    %get3A_27 = arith.constant 0 : index
    %get3A_28 = arith.constant 0 : index
    %get3A_29 = vector.load %arg3[%get3A_27, %get3A_28] : memref<1280x1xf32, #tpu.memory_space<vmem>>, vector<1280x1xf32>
    %mul3A = vector.broadcast %get3A_29 : vector<1280x1xf32> to vector<1280x128xf32>
    %mul3A_30 = arith.mulf %get3A_26, %mul3A : vector<1280x128xf32>
    %get3A_31 = arith.constant 0 : index
    %get3A_32 = arith.constant 0 : index
    %get3A_33 = vector.load %arg5[%get3A_31, %get3A_32] : memref<1280x128xf32, #tpu.memory_space<vmem>>, vector<1280x128xf32>
    %mul3A_34 = arith.mulf %slice3A, %mul3A_30 : vector<1280x128xf32>
    %convert_element_type3A_35 = arith.truncf %mul3A_34 : vector<1280x128xf32> to vector<1280x128xbf16>
    %get3A_36 = arith.constant 0 : index
    %get3A_37 = arith.constant 0 : index
    %get3A_38 = vector.load %arg9[%get3A_36, %get3A_37] : memref<128x512xbf16, #tpu.memory_space<vmem>>, vector<128x512xbf16>
    %dot_general3A_39 = arith.constant dense<0.000000e+00> : vector<1280x512xf32>
    %dot_general3A_40 = tpu.matmul %convert_element_type3A_35, %get3A_38, %dot_general3A_39 {dimension_numbers = #tpu.dot_dimension_numbers<[1], [0], [0], [1], [0, 0, 1, 1], [], []>, transpose_lhs_hint = false} : vector<1280x128xbf16>, vector<128x512xbf16>, vector<1280x512xf32> -> vector<1280x512xf32>
    %concatenate3A = tpu.concatenate %get3A_33, %get3A_33, %get3A_33, %get3A_33 in 1 : vector<1280x128xf32>, vector<1280x128xf32>, vector<1280x128xf32>, vector<1280x128xf32> -> vector<1280x512xf32>
    %mul3A_41 = arith.mulf %dot_general3A_40, %concatenate3A : vector<1280x512xf32>
    %convert_element_type3A_42 = arith.truncf %mul3A_41 : vector<1280x512xf32> to vector<1280x512xbf16>
    %get3A_43 = arith.constant 0 : index
    %get3A_44 = arith.constant 0 : index
    %get3A_45 = vector.load %arg10[%get3A_43, %get3A_44] : memref<512x8xbf16, #tpu.memory_space<vmem>>, vector<512x8xbf16>
    %dot_general3A_46 = arith.constant dense<0.000000e+00> : vector<1280x8xf32>
    %dot_general3A_47 = tpu.matmul %convert_element_type3A_42, %get3A_45, %dot_general3A_46 {dimension_numbers = #tpu.dot_dimension_numbers<[1], [0], [0], [1], [0, 0, 1, 1], [], []>, transpose_lhs_hint = false} : vector<1280x512xbf16>, vector<512x8xbf16>, vector<1280x8xf32> -> vector<1280x8xf32>
    %get3A_48 = arith.constant 0 : index
    %get3A_49 = arith.constant 0 : index
    %get3A_50 = vector.load %arg2[%get3A_48, %get3A_49] : memref<1280x1xf32, #tpu.memory_space<vmem>>, vector<1280x1xf32>
    %exp3A = math.exp %dot_general3A_47 : vector<1280x8xf32>
    %mul3A_51 = vector.broadcast %get3A_50 : vector<1280x1xf32> to vector<1280x8xf32>
    %mul3A_52 = arith.mulf %mul3A_51, %exp3A : vector<1280x8xf32>
    %swap3A = arith.constant 0 : index
    %swap3A_53 = arith.constant 0 : index
    %swap3A_54 = vector.load %arg12[%swap3A, %swap3A_53] : memref<1280x8xf32, #tpu.memory_space<vmem>>, vector<1280x8xf32>
    tpu.vector_store %arg12[%swap3A, %swap3A_53], %mul3A_52 {strides = array<i32>} : memref<1280x8xf32, #tpu.memory_space<vmem>>, vector<1280x8xf32>,
    %max3A_55 = arith.constant 0.000000e+00 : f32
    %max3A_56 = vector.broadcast %max3A_55 : f32 to vector<1280x8xf32>
    %max3A_57 = arith.maximumf %mul3A_52, %max3A_56 : vector<1280x8xf32>
    %sqrt3A = math.sqrt %max3A_57 : vector<1280x8xf32>
    %convert_element_type3A_58 = arith.truncf %sqrt3A : vector<1280x8xf32> to vector<1280x8xbf16>
    %get3A_59 = arith.constant 0 : index
    %get3A_60 = arith.constant 0 : index
    %get3A_61 = vector.load %arg11[%get3A_59, %get3A_60] : memref<8x128xbf16, #tpu.memory_space<vmem>>, vector<8x128xbf16>
    %dot_general3A_62 = arith.constant dense<0.000000e+00> : vector<1280x128xf32>
    %dot_general3A_63 = tpu.matmul %convert_element_type3A_58, %get3A_61, %dot_general3A_62 {dimension_numbers = #tpu.dot_dimension_numbers<[1], [0], [0], [1], [0, 0, 1, 1], [], []>, transpose_lhs_hint = false} : vector<1280x8xbf16>, vector<8x128xbf16>, vector<1280x128xf32> -> vector<1280x128xf32>
    %mul3A_64 = arith.mulf %slice3A_23, %mul3A_30 : vector<1280x128xf32>
    %mul3A_65 = arith.mulf %mul3A_64, %dot_general3A_63 : vector<1280x128xf32>
    %swap3A_66 = arith.constant 0 : index
    %swap3A_67 = arith.constant 0 : index
    %swap3A_68 = vector.load %arg13[%swap3A_66, %swap3A_67] : memref<1280x128xf32, #tpu.memory_space<vmem>>, vector<1280x128xf32>
    tpu.vector_store %arg13[%swap3A_66, %swap3A_67], %mul3A_65 {strides = array<i32>} : memref<1280x128xf32, #tpu.memory_space<vmem>>, vector<1280x128xf32>,
    return
  }
  func.func @transform_0(%arg0: i32) -> (i32, i32) {
    %c0_i32 = arith.constant 0 : i32
    %c0_i32_0 = arith.constant 0 : i32
    return %arg0, %c0_i32 : i32, i32
  }
  func.func @transform_1(%arg0: i32) -> (i32, i32) {
    %c0_i32 = arith.constant 0 : i32
    %c0_i32_0 = arith.constant 0 : i32
    return %arg0, %c0_i32 : i32, i32
  }
  func.func @transform_2(%arg0: i32) -> (i32, i32) {
    %c0_i32 = arith.constant 0 : i32
    %c0_i32_0 = arith.constant 0 : i32
    return %arg0, %c0_i32 : i32, i32
  }
  func.func @transform_3(%arg0: i32) -> (i32, i32) {
    %c0_i32 = arith.constant 0 : i32
    %c0_i32_0 = arith.constant 0 : i32
    return %arg0, %c0_i32 : i32, i32
  }
  func.func @transform_4(%arg0: i32) -> (i32, i32) {
    %c0_i32 = arith.constant 0 : i32
    %c0_i32_0 = arith.constant 0 : i32
    return %arg0, %c0_i32 : i32, i32
  }
  func.func @transform_5(%arg0: i32) -> (i32, i32) {
    %c0_i32 = arith.constant 0 : i32
    %c0_i32_0 = arith.constant 0 : i32
    %c0_i32_1 = arith.constant 0 : i32
    return %c0_i32, %c0_i32_0 : i32, i32
  }
  func.func @transform_6(%arg0: i32) -> (i32, i32) {
    %c0_i32 = arith.constant 0 : i32
    %c0_i32_0 = arith.constant 0 : i32
    %c0_i32_1 = arith.constant 0 : i32
    return %c0_i32, %c0_i32_0 : i32, i32
  }
  func.func @transform_7(%arg0: i32) -> (i32, i32) {
    %c0_i32 = arith.constant 0 : i32
    %c0_i32_0 = arith.constant 0 : i32
    %c0_i32_1 = arith.constant 0 : i32
    return %c0_i32, %c0_i32_0 : i32, i32
  }
  func.func @transform_8(%arg0: i32) -> (i32, i32) {
    %c0_i32 = arith.constant 0 : i32
    %c0_i32_0 = arith.constant 0 : i32
    %c0_i32_1 = arith.constant 0 : i32
    return %c0_i32, %c0_i32_0 : i32, i32
  }
  func.func @transform_9(%arg0: i32) -> (i32, i32) {
    %c0_i32 = arith.constant 0 : i32
    %c0_i32_0 = arith.constant 0 : i32
    %c0_i32_1 = arith.constant 0 : i32
    return %c0_i32, %c0_i32_0 : i32, i32
  }
  func.func @transform_10(%arg0: i32) -> (i32, i32) {
    %c0_i32 = arith.constant 0 : i32
    %c0_i32_0 = arith.constant 0 : i32
    %c0_i32_1 = arith.constant 0 : i32
    return %c0_i32, %c0_i32_0 : i32, i32
  }
  func.func @transform_11(%arg0: i32) -> (i32, i32) {
    %c0_i32 = arith.constant 0 : i32
    %c0_i32_0 = arith.constant 0 : i32
    return %arg0, %c0_i32 : i32, i32
  }
  func.func @transform_12(%arg0: i32) -> (i32, i32) {
    %c0_i32 = arith.constant 0 : i32
    %c0_i32_0 = arith.constant 0 : i32
    return %arg0, %c0_i32 : i32, i32
  }
}

module attributes {stable_mosaic.version = 14 : i64} {
  func.func @_final_body(%arg0: i32, %arg1: memref<2x400x8xf32, #tpu.memory_space<vmem>>, %arg2: memref<2x400x128xf32, #tpu.memory_space<vmem>>, %arg3: memref<128x128xf32, #tpu.memory_space<vmem>>, %arg4: memref<8x128xf32, #tpu.memory_space<vmem>>, %arg5: memref<400x128xf32, #tpu.memory_space<vmem>>) attributes {dimension_semantics = [#tpu.dimension_semantics<arbitrary>], iteration_bounds = array<i64: 25>, scalar_prefetch = 0 : i64, scratch_operands = 0 : i64, tpu.core_type = #tpu.core_type<tc>, window_params = [{transform_indices = @transform_0, window_bounds = array<i64: 2, 400, 8>}, {transform_indices = @transform_1, window_bounds = array<i64: 2, 400, 128>}, {pipeline_mode = #tpu.pipeline_mode<synchronous>, transform_indices = @transform_2, window_bounds = array<i64: 128, 128>}, {pipeline_mode = #tpu.pipeline_mode<synchronous>, transform_indices = @transform_3, window_bounds = array<i64: 8, 128>}, {transform_indices = @transform_4, window_bounds = array<i64: 400, 128>}]} {
    %get3A = arith.constant 0 : index
    %get3A_0 = arith.constant 0 : index
    %get3A_1 = arith.constant 0 : index
    %get3A_2 = vector.load %arg1[%get3A, %get3A_0, %get3A_1] : memref<2x400x8xf32, #tpu.memory_space<vmem>>, vector<1x400x8xf32>
    %get3A_3 = vector.shape_cast %get3A_2 : vector<1x400x8xf32> to vector<400x8xf32>
    %get3A_4 = arith.constant 1 : index
    %get3A_5 = arith.constant 0 : index
    %get3A_6 = arith.constant 0 : index
    %get3A_7 = vector.load %arg1[%get3A_4, %get3A_5, %get3A_6] : memref<2x400x8xf32, #tpu.memory_space<vmem>>, vector<1x400x8xf32>
    %get3A_8 = vector.shape_cast %get3A_7 : vector<1x400x8xf32> to vector<400x8xf32>
    %add3A = arith.addf %get3A_3, %get3A_8 : vector<400x8xf32>
    %eq3A = arith.constant 0.000000e+00 : f32
    %eq3A_9 = vector.broadcast %eq3A : f32 to vector<400x8xf32>
    %eq3A_10 = arith.cmpf oeq, %add3A, %eq3A_9 : vector<400x8xf32>
    %jit3A = arith.constant 1.000000e+00 : f32
    %broadcast_in_dim3A = vector.broadcast %jit3A : f32 to vector<400x8xf32>
    %select_n3A = arith.select %eq3A_10, %broadcast_in_dim3A, %add3A : vector<400x8xi1>, vector<400x8xf32>
    %rsqrt3A = math.rsqrt %select_n3A : vector<400x8xf32>
    %get3A_11 = arith.constant 0 : index
    %get3A_12 = arith.constant 0 : index
    %get3A_13 = vector.load %arg4[%get3A_11, %get3A_12] : memref<8x128xf32, #tpu.memory_space<vmem>>, vector<8x128xf32>
    %dot_general3A = arith.constant dense<0.000000e+00> : vector<400x128xf32>
    %dot_general3A_14 = tpu.matmul %rsqrt3A, %get3A_13, %dot_general3A {dimension_numbers = #tpu.dot_dimension_numbers<[1], [0], [0], [1], [0, 0, 1, 1], [], []>, precision = #tpu.contract_precision<fp32>, transpose_lhs_hint = false} : vector<400x8xf32>, vector<8x128xf32>, vector<400x128xf32> -> vector<400x128xf32>
    %get3A_15 = arith.constant 0 : index
    %get3A_16 = arith.constant 0 : index
    %get3A_17 = arith.constant 0 : index
    %get3A_18 = vector.load %arg2[%get3A_15, %get3A_16, %get3A_17] : memref<2x400x128xf32, #tpu.memory_space<vmem>>, vector<1x400x128xf32>
    %get3A_19 = vector.shape_cast %get3A_18 : vector<1x400x128xf32> to vector<400x128xf32>
    %get3A_20 = arith.constant 1 : index
    %get3A_21 = arith.constant 0 : index
    %get3A_22 = arith.constant 0 : index
    %get3A_23 = vector.load %arg2[%get3A_20, %get3A_21, %get3A_22] : memref<2x400x128xf32, #tpu.memory_space<vmem>>, vector<1x400x128xf32>
    %get3A_24 = vector.shape_cast %get3A_23 : vector<1x400x128xf32> to vector<400x128xf32>
    %add3A_25 = arith.addf %get3A_19, %get3A_24 : vector<400x128xf32>
    %mul3A = arith.mulf %add3A_25, %dot_general3A_14 : vector<400x128xf32>
    %get3A_26 = arith.constant 0 : index
    %get3A_27 = arith.constant 0 : index
    %get3A_28 = vector.load %arg3[%get3A_26, %get3A_27] : memref<128x128xf32, #tpu.memory_space<vmem>>, vector<128x128xf32>
    %dot_general3A_29 = arith.constant dense<0.000000e+00> : vector<400x128xf32>
    %dot_general3A_30 = tpu.matmul %mul3A, %get3A_28, %dot_general3A_29 {dimension_numbers = #tpu.dot_dimension_numbers<[1], [0], [0], [1], [0, 0, 1, 1], [], []>, precision = #tpu.contract_precision<fp32>, transpose_lhs_hint = false} : vector<400x128xf32>, vector<128x128xf32>, vector<400x128xf32> -> vector<400x128xf32>
    %swap3A = arith.constant 0 : index
    %swap3A_31 = arith.constant 0 : index
    %swap3A_32 = vector.load %arg5[%swap3A, %swap3A_31] : memref<400x128xf32, #tpu.memory_space<vmem>>, vector<400x128xf32>
    tpu.vector_store %arg5[%swap3A, %swap3A_31], %dot_general3A_30 {strides = array<i32>} : memref<400x128xf32, #tpu.memory_space<vmem>>, vector<400x128xf32>,
    return
  }
  func.func @transform_0(%arg0: i32) -> (i32, i32, i32) {
    %c0_i32 = arith.constant 0 : i32
    %c0_i32_0 = arith.constant 0 : i32
    %c0_i32_1 = arith.constant 0 : i32
    return %c0_i32, %arg0, %c0_i32_0 : i32, i32, i32
  }
  func.func @transform_1(%arg0: i32) -> (i32, i32, i32) {
    %c0_i32 = arith.constant 0 : i32
    %c0_i32_0 = arith.constant 0 : i32
    %c0_i32_1 = arith.constant 0 : i32
    return %c0_i32, %arg0, %c0_i32_0 : i32, i32, i32
  }
  func.func @transform_2(%arg0: i32) -> (i32, i32) {
    %c0_i32 = arith.constant 0 : i32
    %c0_i32_0 = arith.constant 0 : i32
    %c0_i32_1 = arith.constant 0 : i32
    return %c0_i32, %c0_i32_0 : i32, i32
  }
  func.func @transform_3(%arg0: i32) -> (i32, i32) {
    %c0_i32 = arith.constant 0 : i32
    %c0_i32_0 = arith.constant 0 : i32
    %c0_i32_1 = arith.constant 0 : i32
    return %c0_i32, %c0_i32_0 : i32, i32
  }
  func.func @transform_4(%arg0: i32) -> (i32, i32) {
    %c0_i32 = arith.constant 0 : i32
    %c0_i32_0 = arith.constant 0 : i32
    return %arg0, %c0_i32 : i32, i32
  }
}

</mosaic_0001>

<sc_bundles>
// kernel: kernel.10.cloned.1.call-start
scs
__scs_entry_jumppad:
0x0: {  	(pc) =	sbr.rel $0x88, $3  }
0x1: {  	(tag) =	ssettag $0x0;
	lr =	simm.s32 $0x1  }
0x2: {  	[smem:$0x3F93] =	sst lr;
	_ =	strace $0xD0000000  }
0x3: {  	_ = 	snop  }
0x4: {  	_ = 	snop  }
0x5: {  	_ = 	snop  }
0x6: {  	_ = 	snop  }
0x7: {  	_ = 	snop  }
__scs_overlays_trampoline_lowered:
0x8: {  	[smem:$0x3FA2] =	sst s0  }
0x9: {  	[smem:$0x3FA3] =	sst s1  }
0xa: {  	[smem:$0x3FA4] =	sst s2  }
0xb: {  	[smem:$0x3FA5] =	sst s3  }
0xc: {  	[smem:$0x3FA6] =	sst s4  }
0xd: {  	[smem:$0x3FA7] =	sst s5  }
0xe: {  	[smem:$0x3FA8] =	sst s6  }
0xf: {  	[smem:$0x3FA9] =	sst s7  }
0x10: {  	[smem:$0x3FAA] =	sst s8  }
0x11: {  	[smem:$0x3FAB] =	sst s9;
	s0 =	simm.s32 @!p0 $0x0  }
0x12: {  	s1 =	sld [smem:$0x3F91];
	s0 =	simm.s32 @p0 $0x1  }
0x13: {  	[smem:$0x3FAC] =	sst s0;
	s0 =	simm.s32 @!p1 $0x0  }
0x14: {  	s2 =	sld [smem:$0x3F90];
	s0 =	simm.s32 @p1 $0x1  }
0x15: {  	[smem:$0x3FAD] =	sst s0;
	s0 =	simm.s32 @!p2 $0x0  }
0x16: {  	s3 =	sld [smem:$0x3FDB];
	s0 =	simm.s32 @p2 $0x1  }
0x17: {  	s4 =	simm.s32 $0x1BF5;
	[smem:$0x3FAF] =	sst s0  }
0x18: {  	s0 =	sld [smem:$0x3F92];
	_ =	swait.ge [sflag:s4], $0x0  }
0x19: {  	s7 =	sld [smem:$0x3F93]  }
0x1a: {  	s8 =	sadd.s32 $0xFFFFE003, lr  }
0x1b: {  	s9 =	sadd.s32 $0xFFFFFEF7, lr;
	s5 =	simm.s32 $0xFFFFFFFF;
	p2 =	slt.u32 s8, $0xFFFFF086  }
0x1c: {  	p1 =	slt.u32 s9, $0xF7A;
	s5 =	simm.s32 @!p2 $0x0  }
0x1d: {  	s5 =	simm.s32 @p1 $0x1;
	p0 =	seq.s32 s7, s2  }
0x1e: {  	s7 =	smul.u32 @!p0 $0xF7A, s2;
	p2 =	seq.s32 @!p0 s5, $0x0  }
0x1f: {  	s9 =	smul.u32 $0xF7A, s1;
	s8 =	simm.s32 @!p0 $0x1BF5;
	p2 =	por !p2, p0  }
0x20: {  	[sflag:s8] =	ssyncset.s32 @!p0 $0xFFFFF086;
	s6 =	sadd.s32 @!p0 s3, s7;
	s7 =	simm.s32 @!p0 $0x108  }
0x21: {  	s3 =	sadd.s32 s3, s9;
	s6 =	sadd.s32 @!p0 $0x88, s6;
	s7 =	simm.s32 @p2 $0x1082  }
0x22: {  	[simem:s7], [sflag:s8] =	dma.local @!p0 [hbm:s6], $0xF7A  }
0x23: {  	s9 =	sor.u32 $0xD0000000, s2;
	s6 =	simm.s32 $0x108;
	_ =	swait.ge @!p0 [sflag:s8], $0x0  }
0x24: {  	s3 =	sadd.s32 $0x88, s3;
	s6 =	simm.s32 @!p1 $0x1082;
	[sflag:s4] =	ssyncset.s32 $0xFFFFF086  }
0x25: {  	[simem:s6], [sflag:s4] =	dma.local [hbm:s3], $0xF7A  }
0x26: {  	[smem:$0x3F93] =	sst s1;
	(tag) =	ssettag s2;
	_ =	strace s9  }
0x27: {  	s1 =	sld [smem:$0x3FA3]  }
0x28: {  	s2 =	sld [smem:$0x3FA4]  }
0x29: {  	s4 =	sld [smem:$0x3FA6]  }
0x2a: {  	p0 =	seq.s32 s5, $0x0;
	s5 =	sld [smem:$0x3FA7]  }
0x2b: {  	s6 =	sld [smem:$0x3FA8]  }
0x2c: {  	s7 =	sld [smem:$0x3FA9]  }
0x2d: {  	s3 =	simm.s32 $0x108;
	s8 =	sld [smem:$0x3FAA]  }
0x2e: {  	s3 =	simm.s32 @!p0 $0x1082;
	s9 =	sld [smem:$0x3FAB]  }
0x2f: {  	lr =	sadd.s32 s0, s3;
	s0 =	sld [smem:$0x3FA2]  }
0x30: {  	s3 =	sld [smem:$0x3FA5]  }
0x31: {  	[smem:$0x3FAE] =	sst s10  }
0x32: {  	s10 =	sld [smem:$0x3FAC];
	_ =	sdelay $0x3  }
0x33: {  	p0 =	seq.s32 s10, $0x1;
	s10 =	sld [smem:$0x3FAE];
	_ =	sdelay $0x3  }
0x34: {  	[smem:$0x3FAE] =	sst s10  }
0x35: {  	s10 =	sld [smem:$0x3FAD];
	_ =	sdelay $0x3  }
0x36: {  	p1 =	seq.s32 s10, $0x1;
	s10 =	sld [smem:$0x3FAE];
	_ =	sdelay $0x3  }
0x37: {  	[smem:$0x3FAE] =	sst s10  }
0x38: {  	s10 =	sld [smem:$0x3FAF]  }
0x39: {  	_ = 	snop;
	(pc) =	sbr.ind lr, $3  }
0x3a: {  	_ = 	snop  }
0x3b: {  	_ = 	snop  }
0x3c: {  	p2 =	seq.s32 s10, $0x1;
	s10 =	sld [smem:$0x3FAE]  }
0x3d: {  	_ =	shalt  }
0x3e: {  	_ =	shalt  }
0x3f: {  	_ =	shalt  }
0x40: {  	_ =	shalt  }
0x41: {  	_ =	shalt  }
0x42: {  	_ =	shalt  }
0x43: {  	_ =	shalt  }
0x44: {  	_ =	shalt  }
0x45: {  	_ =	shalt  }
0x46: {  	_ =	shalt  }
0x47: {  	_ =	shalt  }
0x48: {  	_ =	shalt  }
0x49: {  	_ =	shalt  }
0x4a: {  	_ =	shalt  }
0x4b: {  	_ =	shalt  }
0x4c: {  	_ =	shalt  }
0x4d: {  	_ =	shalt  }
0x4e: {  	_ =	shalt  }
0x4f: {  	_ =	shalt  }
0x50: {  	_ =	shalt  }
0x51: {  	_ =	shalt  }
0x52: {  	_ =	shalt  }
0x53: {  	_ =	shalt  }
0x54: {  	_ =	shalt  }
0x55: {  	_ =	shalt  }
0x56: {  	_ =	shalt  }
0x57: {  	_ =	shalt  }
0x58: {  	_ =	shalt  }
0x59: {  	_ =	shalt  }
0x5a: {  	_ =	shalt  }
0x5b: {  	_ =	shalt  }
0x5c: {  	_ =	shalt  }
0x5d: {  	_ =	shalt  }
0x5e: {  	_ =	shalt  }
0x5f: {  	_ =	shalt  }
0x60: {  	_ =	shalt  }
0x61: {  	_ =	shalt  }
0x62: {  	_ =	shalt  }
0x63: {  	_ =	shalt  }
0x64: {  	_ =	shalt  }
0x65: {  	_ =	shalt  }
0x66: {  	_ =	shalt  }
0x67: {  	_ =	shalt  }
0x68: {  	_ =	shalt  }
0x69: {  	_ =	shalt  }
0x6a: {  	_ =	shalt  }
0x6b: {  	_ =	shalt  }
0x6c: {  	_ =	shalt  }
0x6d: {  	_ =	shalt  }
0x6e: {  	_ =	shalt  }
0x6f: {  	_ =	shalt  }
0x70: {  	_ =	shalt  }
0x71: {  	_ =	shalt  }
0x72: {  	_ =	shalt  }
0x73: {  	_ =	shalt  }
0x74: {  	_ =	shalt  }
0x75: {  	_ =	shalt  }
0x76: {  	_ =	shalt  }
0x77: {  	_ =	shalt  }
0x78: {  	_ =	shalt  }
0x79: {  	_ =	shalt  }
0x7a: {  	_ =	shalt  }
0x7b: {  	_ =	shalt  }
0x7c: {  	_ =	shalt  }
0x7d: {  	_ =	shalt  }
0x7e: {  	_ =	shalt  }
0x7f: {  	_ =	shalt  }
0x80: {  	_ =	shalt  }
0x81: {  	_ =	shalt  }
0x82: {  	_ =	shalt  }
0x83: {  	_ =	shalt  }
0x84: {  	_ =	shalt  }
0x85: {  	_ =	shalt  }
0x86: {  	_ =	shalt  }
0x87: {  	_ =	shalt  }
.Lfunc_end0:
.L_simem_size_0:
called_computation.1_lowered:
.L_overlay_start_0:
0x88: {  	s2 =	sld [smem:$0x3FD9]  }
0x89: {  	s3 =	sld [smem:$0x3FFE];
	_ =	sdelay $0x1  }
0x8a: {  	s1 =	srdreg.scid  }
0x8b: {  	s0 =	sand.u32 $0x1, s1  }
0x8c: {  	s17 =	sshll.u32 s0, $0xA;
	s2 =	sadd.s32 s3, s2  }
0x8d: {  	s2 =	sadd.s32 s2, s17  }
0x8e: {  	[smem:$0x3FBA] =	sst s2  }
0x8f: {  	_ = 	snop  }
0x90: {  	s2 =	sld [smem:$0x3FD0];
	(tm) =	ssettm $0x1  }
0x91: {  	s18 =	sld [smem:$0x3FFB];
	_ =	sdelay $0x3  }
0x92: {  	_ =	strace s18  }
0x93: {  	s3 =	sld [smem:$0x3FFC];
	_ =	sdelay $0x3  }
0x94: {  	_ =	strace s3  }
0x95: {  	s3 =	sld [smem:$0x3FFD];
	_ =	sdelay $0x3  }
0x96: {  	_ =	strace s3  }
0x97: {  	_ =	strace $0x8FFFFFFF  }
0x98: {  	s19 =	sld [smem:$0x3FDB];
	_ =	sdelay $0x1  }
0x99: {  	s4 =	simm.s32 $_scs_section_size  }
0x9a: {  	s5 =	simm.s32 $_size__tile_overlayer_lowered;
	s6 =	simm.s32 $_tile_overlayer_lowered  }
0x9b: {  	s22 =	simm.s32 $0x1BFF;
	s21 =	sshll.u32 s6, $0x1;
	s3 =	sadd.s32 s4, s19  }
0x9c: {  	s7 =	simm.s32 $0x0;
	s20 =	sshll.u32 s5, $0x1;
	s5 =	sadd.s32 s21, s3  }
0x9d: {  	[timem:s7], [sflag:s22] =	dma.local [hbm:s5], s20  }
0x9e: {  	_ =	swait.ge [sflag:s22], s20  }
0x9f: {  	s4 =	ssub.s32 $0x0, s20;
	[sflag:s22] =	ssyncset.done $0x0  }
0xa0: {  	[sflag:s22] =	ssyncadd.s32 s4;
	_ =	sdelay $0x1  }
0xa1: {  	s23 =	simm.s32 $0x1B8B  }
0xa2: {  	_ =	swait.ge [sflag:s23], $0x1  }
0xa3: {  	[sflag:s23] =	ssyncset.done $0x0  }
0xa4: {  	s25 =	simm.s32 $0x1B8E;
	s24 =	sld [smem:$0x3FFE];
	[sflag:s23] =	ssyncadd.s32 $0xFFFFFFFF  }
0xa5: {  	s26 =	simm.s32 $execute0_lowered;
	[smem:$0x3FD2] =	sst s25  }
0xa6: {  	s5 =	sshll.u32 s26, $0x1;
	_ =	strace $0x80000049;
	[dreg:$0x1] =	wrdreg $0xFFFFFFFF  }
0xa7: {  	s28 =	simm.s32 $_size_execute0_lowered;
	s3 =	sadd.s32 s3, s5;
	[dreg:$0x0] =	wrdreg $0x0  }
0xa8: {  	s5 =	sshll.u32 s28, $0x1;
	[dreg:$0x2] =	wrdreg s3  }
0xa9: {  	[dreg:$0x3] =	wrdreg s5  }
0xaa: {  	[dreg:$0x4] =	wrdreg $0xC0  }
0xab: {  	_ =	task [dreg:s7], $0x5FFFF  }
0xac: {  	[dreg:$0x1] =	wrdreg $0xFFFFFFFF  }
0xad: {  	[dreg:$0x0] =	wrdreg $0x60  }
0xae: {  	[dreg:$0x2] =	wrdreg s2  }
0xaf: {  	[dreg:$0x3] =	wrdreg s24  }
0xb0: {  	[dreg:$0x4] =	wrdreg $0x90000  }
0xb1: {  	[dreg:$0x5] =	wrdreg $0x9  }
0xb2: {  	_ =	task.clear_ibuf [dreg:s7], $0x6FFFF;
	_ =	strace $0x90000049  }
0xb3: {  	s29 =	simm.s32 $0x9;
	_ =	strace $0x8000004B  }
0xb4: {  	_ =	swait.ge [sflag:s29], $0x1  }
0xb5: {  	[sflag:s29] =	ssyncadd.s32 $0xFFFFFFFF  }
0xb6: {  	_ =	strace $0x9000004B  }
0xb7: {  	_ =	sfence  }
0xb8: {  	s30 =	sld [smem:$0x0];
	_ =	sdelay $0x2  }
0xb9: {  	s31 =	sshll.u32 s1, $0xD;
	s1 =	sshrl.u32 s1, $0x2  }
0xba: {  	s3 =	sand.u32 $0x4000, s31;
	s1 =	sadd.s32 s1, s30  }
0xbb: {  	s0 =	sor.u32 s3, s0;
	s1 =	sshll.u32 s1, $0x11  }
0xbc: {  	s0 =	sor.u32 s1, s0  }
0xbd: {  	s0 =	sadd.s32 $0x8F2B, s0  }
0xbe: {  	[sflag:s0] =	ssyncadd.remote.s32 $0x1  }
0xbf: {  	_ =	sfence.sel $0xFFFF  }
0xc0: {  	[dreg:$0x0] =	wrdreg $0xFFFFFFFF;
	(pc) =	sbr.abs _section_cstart, $3  }
0xc1: {  	[dreg:$0x1] =	wrdreg $0xFFFFFFFF  }
0xc2: {  	_ =	task.clear_ibuf [dreg:s7], $0x2FFFF;
	_ =	strace $0x9FFFFFFF  }
0xc3: {  	(tm) =	ssettm $0x7FFFFFFF  }
tec
execute0_lowered:
.L_overlay_start_1:
0x0: {  	(tag) =	ssettag $0x1  }
0x1: {  	s6 =	rddreg [dreg:$0x0]  }
0x2: {  	s4 =	rddreg [dreg:$0x1]  }
0x3: {  	s2 =	rddreg [dreg:$0x2]  }
0x4: {  	s0 =	rddreg [dreg:$0x3]  }
0x5: {  	s1 =	stileid.u32;
	s5 =	srdreg.scid;
	s3 =	simm.s32 $0x0  }
0x6: {  	s16 =	simm.s32 $0x50;
	s17 =	simm.s32 $0x2;
	s18 =	simm.s32 $0x3E00  }
0x7: {  	s19 =	simm.s32 $0x0;
	s7 =	smul.u32 $0x13C00, s1;
	s5 =	sand.u32 $0x1, s5  }
0x8: {  	[smem:$0x7FF] =	sst s3;
	s10 =	sadd.s32 $0x187DC00, s4;
	s11 =	smul.u32 $0x4F000, s1  }
0x9: {  	s24 =	sshll.u32 s1, $0x1;
	s29 =	smul.u32 $0x4E200, s1;
	s30 =	sshll.u32 s1, $0x6  }
0xa: {  	s8 =	smul.u32 $0x13C000, s5;
	_ =	strace $0x8000004A;
	s25 =	ssub.s32 $0x2, s5  }
0xb: {  	s26 =	sor.u32 s5, s24;
	s15 =	smul.u32 $0x27100, s5;
	s5 =	sor.u32 $0x1C03, s30  }
0xc: {  	s9 =	sshrl.u32 s7, $0x3;
	s28 =	sshrl.u32 s25, $0x1;
	s11 =	sshrl.u32 s11, $0x2  }
0xd: {  	s13 =	smul.u32 $0x27100, s26;
	s9 =	sadd.s32 s9, s4;
	s7 =	sadd.s32 s7, s8  }
0xe: {  	s14 =	ssub.s32 s25, s28;
	s11 =	sadd.s32 s11, s2;
	s8 =	sadd.s32 s29, s10  }
0xf: {  	s7 =	sshrl.u32 s7, $0x3;
	s31 =	sadd.s32 s15, s8;
	s11 =	sshrl.u32 s11, $0x3  }
0x10: {  	s15 =	simm.s32 $0x1;
	s12 =	sadd.s32 s7, s4;
	s4 =	sadd.s32 $0x3A00, s9  }
0x11: {  	s7 =	sshll.u32 s26, $0xB;
	s9 =	smax.u32 s14, $0x1;
	s14 =	simm.s32 $0x6800  }
0x12: {  	s6 =	sadd.s32 s6, s7;
	s7 =	sadd.s32 s10, s13;
	s8 =	sadd.s32 $0x2B200, s12  }
0x13: {  	s10 =	sadd.s32 $0xA00, s31;
	s12 =	simm.s32 $0x3;
	s13 =	simm.s32 $0x4000  }
.LBB2_1:
0x14: {  	[spmem:s11], [sflag:s5] =	dma.local [hbm:s4], $0x2780  }
0x15: {  	_ =	swait.ge [sflag:s12], $0x2780  }
0x16: {  	[sflag:s12] =	ssyncset.done $0x0  }
0x17: {  	[sflag:s12] =	ssyncadd.s32 $0xFFFFD880  }
0x18: {  	[tilespmem:s3], [sflag:$0x3] =	stream.linear.gather [hbm4b:s6+s3], $0x3E80, $0x38;
	[tilespmem:$0x1CC00] =	vst v63  }
0x19: {  	_ =	swait.ge [sflag:s12], $0x3E80  }
0x1a: {  	[sflag:s12] =	ssyncset.done $0x0  }
0x1b: {  	[sflag:s12] =	ssyncadd.s32 $0xFFFFC180  }
0x1c: {  	[bflag:$0x0] =	sbarrier.arrive $0xFFFF  }
0x1d: {  	[tilespmem:s13], [sflag:$0x1] =	stream.linear.gather [hbm4b:s7+s3], $0x2800, $0x38;
	[tilespmem:$0x1CC00] =	vst v63  }
0x1e: {  	s20 =	sadd.s32 $0xFFFFFB00, s10  }
0x1f: {  	[tilespmem:s14], [sflag:$0x2] =	stream.linear.gather [hbm4b:s20+s3], $0x2800, $0x38;
	[tilespmem:$0x1CC00] =	vst v63  }
0x20: {  	_ =	swait.ge [sflag:s15], $0x2800  }
0x21: {  	[sflag:s15] =	ssyncset.done $0x0  }
0x22: {  	s30 =	simm.s32 $0x0;
	[sflag:s15] =	ssyncadd.s32 $0xFFFFD800  }
0x23: {  	[spmem:s2] =	stream.indirect.scatter.add.f32 [tilespmem:s13], [sflag:$0x3], $0x80, s30, s16, $0xb8;
	[tilespmem:$0x1CC00] =	vst v63  }
0x24: {  	_ =	swait.ge [sflag:s12], $0x2800  }
0x25: {  	[sflag:s12] =	ssyncset.done $0x0  }
0x26: {  	[sflag:s12] =	ssyncadd.s32 $0xFFFFD800  }
0x27: {  	[tilespmem:s13], [sflag:$0x1] =	stream.linear.gather [hbm4b:s10+s3], $0x2800, $0x38;
	[tilespmem:$0x1CC00] =	vst v63  }
0x28: {  	_ =	swait.ge [sflag:s17], $0x2800  }
0x29: {  	[sflag:s17] =	ssyncset.done $0x0  }
0x2a: {  	s31 =	simm.s32 $0x80;
	[sflag:s17] =	ssyncadd.s32 $0xFFFFD800  }
0x2b: {  	[spmem:s2] =	stream.indirect.scatter.add.f32 [tilespmem:s14], [sflag:$0x3], $0x80, s31, s16, $0xb8;
	[tilespmem:$0x1CC00] =	vst v63  }
0x2c: {  	s21 =	simm.s32 $0x400;
	_ =	swait.ge [sflag:s12], $0x2800  }
0x2d: {  	s22 =	simm.s32 $0x800;
	s20 =	sadd.s32 $0xA00, s10;
	[sflag:s12] =	ssyncset.done $0x0  }
.LBB2_2:
0x2e: {  	p0 =	sne.s32 s22, $0xF400;
	s23 =	sadd.s32 $0xFFFFFB00, s20;
	[sflag:s12] =	ssyncadd.s32 $0xFFFFD800  }
0x2f: {  	[tilespmem:s14], [sflag:$0x2] =	stream.linear.gather [hbm4b:s23+s3], $0x2800, $0x38;
	[tilespmem:$0x1CC00] =	vst v63  }
0x30: {  	s23 =	smov.u32 s22;
	s22 =	sadd.s32 $0x400, s22;
	_ =	swait.ge [sflag:s15], $0x2800  }
0x31: {  	[sflag:s15] =	ssyncset.done $0x0  }
0x32: {  	s24 =	sshra.s32 s21, $0x2;
	s21 =	smov.u32 s23;
	[sflag:s15] =	ssyncadd.s32 $0xFFFFD800  }
0x33: {  	[spmem:s2] =	stream.indirect.scatter.add.f32 [tilespmem:s13], [sflag:$0x3], $0x80, s24, s16, $0xb8;
	[tilespmem:$0x1CC00] =	vst v63  }
0x34: {  	_ =	swait.ge [sflag:s12], $0x2800  }
0x35: {  	[sflag:s12] =	ssyncset.done $0x0  }
0x36: {  	[sflag:s12] =	ssyncadd.s32 $0xFFFFD800  }
0x37: {  	[tilespmem:s13], [sflag:$0x1] =	stream.linear.gather [hbm4b:s20+s3], $0x2800, $0x38;
	[tilespmem:$0x1CC00] =	vst v63  }
0x38: {  	_ =	swait.ge [sflag:s17], $0x2800  }
.Ltmp0:
0x39: {  	[sflag:s17] =	ssyncset.done $0x0;
	(pc) =	sbr.rel @p0 .LBB2_2-.Ltmp0, $4  }
0x3a: {  	s23 =	sadd.s32 $0x80, s24;
	[sflag:s17] =	ssyncadd.s32 $0xFFFFD800  }
0x3b: {  	[spmem:s2] =	stream.indirect.scatter.add.f32 [tilespmem:s14], [sflag:$0x3], $0x80, s23, s16, $0xb8;
	[tilespmem:$0x1CC00] =	vst v63  }
0x3c: {  	_ =	swait.ge [sflag:s12], $0x2800  }
0x3d: {  	s20 =	sadd.s32 $0xA00, s20;
	[sflag:s12] =	ssyncset.done $0x0  }
0x3e: {  	s22 =	sadd.s32 $0xFFFFFB00, s20;
	[sflag:s12] =	ssyncadd.s32 $0xFFFFD800  }
0x3f: {  	[tilespmem:s14], [sflag:$0x2] =	stream.linear.gather [hbm4b:s22+s3], $0x2800, $0x38;
	[tilespmem:$0x1CC00] =	vst v63  }
0x40: {  	_ =	swait.ge [sflag:s15], $0x2800  }
0x41: {  	[sflag:s15] =	ssyncset.done $0x0  }
0x42: {  	s21 =	sshra.s32 s21, $0x2;
	[sflag:s15] =	ssyncadd.s32 $0xFFFFD800  }
0x43: {  	[spmem:s2] =	stream.indirect.scatter.add.f32 [tilespmem:s13], [sflag:$0x3], $0x80, s21, s16, $0xb8;
	[tilespmem:$0x1CC00] =	vst v63  }
0x44: {  	_ =	swait.ge [sflag:s12], $0x2800  }
0x45: {  	[sflag:s12] =	ssyncset.done $0x0  }
0x46: {  	[sflag:s12] =	ssyncadd.s32 $0xFFFFD800  }
0x47: {  	[tilespmem:s13], [sflag:$0x1] =	stream.linear.gather [hbm4b:s20+s3], $0x2800, $0x38;
	[tilespmem:$0x1CC00] =	vst v63  }
0x48: {  	_ =	swait.ge [sflag:s17], $0x2800  }
0x49: {  	[sflag:s17] =	ssyncset.done $0x0  }
0x4a: {  	s31 =	sadd.s32 $0x80, s21;
	[sflag:s17] =	ssyncadd.s32 $0xFFFFD800  }
0x4b: {  	[spmem:s2] =	stream.indirect.scatter.add.f32 [tilespmem:s14], [sflag:$0x3], $0x80, s31, s16, $0xb8;
	[tilespmem:$0x1CC00] =	vst v63  }
0x4c: {  	_ =	swait.ge [sflag:s12], $0x2800  }
0x4d: {  	[sflag:s12] =	ssyncset.done $0x0  }
0x4e: {  	[sflag:s12] =	ssyncadd.s32 $0xFFFFD800  }
0x4f: {  	_ =	swait.ge [sflag:s15], $0x2800  }
0x50: {  	[sflag:s15] =	ssyncset.done $0x0  }
0x51: {  	[sflag:s15] =	ssyncadd.s32 $0xFFFFD800  }
0x52: {  	[spmem:s2] =	stream.indirect.scatter.add.f32 [tilespmem:s13], [sflag:$0x3], $0x80, s18, s16, $0xb8;
	[tilespmem:$0x1CC00] =	vst v63  }
0x53: {  	_ =	swait.ge [sflag:s12], $0x2800  }
0x54: {  	s19 =	sadd.s32 $0x1, s19;
	[sflag:s12] =	ssyncset.done $0x0  }
0x55: {  	p0 =	sne.s32 s19, s9;
	[sflag:s12] =	ssyncadd.s32 $0xFFFFD800  }
.Ltmp1:
0x56: {  	[bflag:$0x0] =	sbarrier.arrive $0xFFFF;
	(pc) =	sbr.rel @p0 .LBB2_1-.Ltmp1, $4  }
0x57: {  	[hbm:s8], [sflag:s5] =	dma.local [spmem:s11], $0x2780  }
0x58: {  	_ =	swait.ge [sflag:s12], $0x2780  }
0x59: {  	[sflag:s12] =	ssyncset.done $0x0  }
0x5a: {  	[sflag:s12] =	ssyncadd.s32 $0xFFFFD880  }
0x5b: {  	_ =	sfence.sel $0x180000  }
0x5c: {  	[bflag:$0x0] =	sbarrier.arrive $0xFFFF  }
0x5d: {  	p0 =	sne.s32 s1, $0x0;
	_ =	strace $0x9000004A  }
0x5e: {  	s0 =	sadd.s32 @!p0 $0x100000, s0;
	[bflag:$0x2] =	sbarrier.arrive $0xFFFF  }
0x5f: {  	[sflag:s0] =	ssyncadd.tile.s32 @!p0 $0x1;
	_ =	shalt  }
.Lfunc_end2:
_tile_overlayer_lowered:
.L_overlay_start_2:
0x60: {  	(tag) =	ssettag $0x2  }
0x61: {  	s0 =	rddreg [dreg:$0x0];
	s2 =	stileid.u32  }
0x62: {  	s1 =	rddreg [dreg:$0x1];
	p0 =	sne.s32 s2, $0x0  }
0x63: {  	s3 =	rddreg [dreg:$0x2];
	[bflag:$0x3] =	sbarrier.arrive $0xFFFF;
	s2 =	simm.s32 @!p0 $0x1C03  }
0x64: {  	[timem:s3], [sflag:s2] =	dma.local @!p0 [hbm:s0], s1  }
0x65: {  	s0 =	simm.s32 @!p0 $0x3  }
0x66: {  	_ =	swait.ge @!p0 [sflag:s0], s1  }
0x67: {  	s1 =	ssub.s32 @!p0 $0x0, s1;
	[sflag:s0] =	ssyncset.done @!p0 $0x0  }
0x68: {  	[sflag:s0] =	ssyncadd.s32 @!p0 s1  }
0x69: {  	[bflag:$0x3] =	sbarrier.arrive $0xFFFF  }
0x6a: {  	_ =	shalt  }

// kernel: kernel.13.cloned.1.call-start
scs
__scs_entry_jumppad:
0x0: {  	(pc) =	sbr.rel $0x88, $3  }
0x1: {  	(tag) =	ssettag $0x0;
	lr =	simm.s32 $0x1  }
0x2: {  	[smem:$0x3F93] =	sst lr;
	_ =	strace $0xD0000000  }
0x3: {  	_ = 	snop  }
0x4: {  	_ = 	snop  }
0x5: {  	_ = 	snop  }
0x6: {  	_ = 	snop  }
0x7: {  	_ = 	snop  }
__scs_overlays_trampoline_lowered:
0x8: {  	[smem:$0x3FA2] =	sst s0  }
0x9: {  	[smem:$0x3FA3] =	sst s1  }
0xa: {  	[smem:$0x3FA4] =	sst s2  }
0xb: {  	[smem:$0x3FA5] =	sst s3  }
0xc: {  	[smem:$0x3FA6] =	sst s4  }
0xd: {  	[smem:$0x3FA7] =	sst s5  }
0xe: {  	[smem:$0x3FA8] =	sst s6  }
0xf: {  	[smem:$0x3FA9] =	sst s7  }
0x10: {  	[smem:$0x3FAA] =	sst s8  }
0x11: {  	[smem:$0x3FAB] =	sst s9;
	s0 =	simm.s32 @!p0 $0x0  }
0x12: {  	s1 =	sld [smem:$0x3F91];
	s0 =	simm.s32 @p0 $0x1  }
0x13: {  	[smem:$0x3FAC] =	sst s0;
	s0 =	simm.s32 @!p1 $0x0  }
0x14: {  	s2 =	sld [smem:$0x3F90];
	s0 =	simm.s32 @p1 $0x1  }
0x15: {  	[smem:$0x3FAD] =	sst s0;
	s0 =	simm.s32 @!p2 $0x0  }
0x16: {  	s3 =	sld [smem:$0x3FDB];
	s0 =	simm.s32 @p2 $0x1  }
0x17: {  	s4 =	simm.s32 $0x1BF5;
	[smem:$0x3FAF] =	sst s0  }
0x18: {  	s0 =	sld [smem:$0x3F92];
	_ =	swait.ge [sflag:s4], $0x0  }
0x19: {  	s7 =	sld [smem:$0x3F93]  }
0x1a: {  	s8 =	sadd.s32 $0xFFFFE003, lr  }
0x1b: {  	s9 =	sadd.s32 $0xFFFFFEF7, lr;
	s5 =	simm.s32 $0xFFFFFFFF;
	p2 =	slt.u32 s8, $0xFFFFF086  }
0x1c: {  	p1 =	slt.u32 s9, $0xF7A;
	s5 =	simm.s32 @!p2 $0x0  }
0x1d: {  	s5 =	simm.s32 @p1 $0x1;
	p0 =	seq.s32 s7, s2  }
0x1e: {  	s7 =	smul.u32 @!p0 $0xF7A, s2;
	p2 =	seq.s32 @!p0 s5, $0x0  }
0x1f: {  	s9 =	smul.u32 $0xF7A, s1;
	s8 =	simm.s32 @!p0 $0x1BF5;
	p2 =	por !p2, p0  }
0x20: {  	[sflag:s8] =	ssyncset.s32 @!p0 $0xFFFFF086;
	s6 =	sadd.s32 @!p0 s3, s7;
	s7 =	simm.s32 @!p0 $0x108  }
0x21: {  	s3 =	sadd.s32 s3, s9;
	s6 =	sadd.s32 @!p0 $0x88, s6;
	s7 =	simm.s32 @p2 $0x1082  }
0x22: {  	[simem:s7], [sflag:s8] =	dma.local @!p0 [hbm:s6], $0xF7A  }
0x23: {  	s9 =	sor.u32 $0xD0000000, s2;
	s6 =	simm.s32 $0x108;
	_ =	swait.ge @!p0 [sflag:s8], $0x0  }
0x24: {  	s3 =	sadd.s32 $0x88, s3;
	s6 =	simm.s32 @!p1 $0x1082;
	[sflag:s4] =	ssyncset.s32 $0xFFFFF086  }
0x25: {  	[simem:s6], [sflag:s4] =	dma.local [hbm:s3], $0xF7A  }
0x26: {  	[smem:$0x3F93] =	sst s1;
	(tag) =	ssettag s2;
	_ =	strace s9  }
0x27: {  	s1 =	sld [smem:$0x3FA3]  }
0x28: {  	s2 =	sld [smem:$0x3FA4]  }
0x29: {  	s4 =	sld [smem:$0x3FA6]  }
0x2a: {  	p0 =	seq.s32 s5, $0x0;
	s5 =	sld [smem:$0x3FA7]  }
0x2b: {  	s6 =	sld [smem:$0x3FA8]  }
0x2c: {  	s7 =	sld [smem:$0x3FA9]  }
0x2d: {  	s3 =	simm.s32 $0x108;
	s8 =	sld [smem:$0x3FAA]  }
0x2e: {  	s3 =	simm.s32 @!p0 $0x1082;
	s9 =	sld [smem:$0x3FAB]  }
0x2f: {  	lr =	sadd.s32 s0, s3;
	s0 =	sld [smem:$0x3FA2]  }
0x30: {  	s3 =	sld [smem:$0x3FA5]  }
0x31: {  	[smem:$0x3FAE] =	sst s10  }
0x32: {  	s10 =	sld [smem:$0x3FAC];
	_ =	sdelay $0x3  }
0x33: {  	p0 =	seq.s32 s10, $0x1;
	s10 =	sld [smem:$0x3FAE];
	_ =	sdelay $0x3  }
0x34: {  	[smem:$0x3FAE] =	sst s10  }
0x35: {  	s10 =	sld [smem:$0x3FAD];
	_ =	sdelay $0x3  }
0x36: {  	p1 =	seq.s32 s10, $0x1;
	s10 =	sld [smem:$0x3FAE];
	_ =	sdelay $0x3  }
0x37: {  	[smem:$0x3FAE] =	sst s10  }
0x38: {  	s10 =	sld [smem:$0x3FAF]  }
0x39: {  	_ = 	snop;
	(pc) =	sbr.ind lr, $3  }
0x3a: {  	_ = 	snop  }
0x3b: {  	_ = 	snop  }
0x3c: {  	p2 =	seq.s32 s10, $0x1;
	s10 =	sld [smem:$0x3FAE]  }
0x3d: {  	_ =	shalt  }
0x3e: {  	_ =	shalt  }
0x3f: {  	_ =	shalt  }
0x40: {  	_ =	shalt  }
0x41: {  	_ =	shalt  }
0x42: {  	_ =	shalt  }
0x43: {  	_ =	shalt  }
0x44: {  	_ =	shalt  }
0x45: {  	_ =	shalt  }
0x46: {  	_ =	shalt  }
0x47: {  	_ =	shalt  }
0x48: {  	_ =	shalt  }
0x49: {  	_ =	shalt  }
0x4a: {  	_ =	shalt  }
0x4b: {  	_ =	shalt  }
0x4c: {  	_ =	shalt  }
0x4d: {  	_ =	shalt  }
0x4e: {  	_ =	shalt  }
0x4f: {  	_ =	shalt  }
0x50: {  	_ =	shalt  }
0x51: {  	_ =	shalt  }
0x52: {  	_ =	shalt  }
0x53: {  	_ =	shalt  }
0x54: {  	_ =	shalt  }
0x55: {  	_ =	shalt  }
0x56: {  	_ =	shalt  }
0x57: {  	_ =	shalt  }
0x58: {  	_ =	shalt  }
0x59: {  	_ =	shalt  }
0x5a: {  	_ =	shalt  }
0x5b: {  	_ =	shalt  }
0x5c: {  	_ =	shalt  }
0x5d: {  	_ =	shalt  }
0x5e: {  	_ =	shalt  }
0x5f: {  	_ =	shalt  }
0x60: {  	_ =	shalt  }
0x61: {  	_ =	shalt  }
0x62: {  	_ =	shalt  }
0x63: {  	_ =	shalt  }
0x64: {  	_ =	shalt  }
0x65: {  	_ =	shalt  }
0x66: {  	_ =	shalt  }
0x67: {  	_ =	shalt  }
0x68: {  	_ =	shalt  }
0x69: {  	_ =	shalt  }
0x6a: {  	_ =	shalt  }
0x6b: {  	_ =	shalt  }
0x6c: {  	_ =	shalt  }
0x6d: {  	_ =	shalt  }
0x6e: {  	_ =	shalt  }
0x6f: {  	_ =	shalt  }
0x70: {  	_ =	shalt  }
0x71: {  	_ =	shalt  }
0x72: {  	_ =	shalt  }
0x73: {  	_ =	shalt  }
0x74: {  	_ =	shalt  }
0x75: {  	_ =	shalt  }
0x76: {  	_ =	shalt  }
0x77: {  	_ =	shalt  }
0x78: {  	_ =	shalt  }
0x79: {  	_ =	shalt  }
0x7a: {  	_ =	shalt  }
0x7b: {  	_ =	shalt  }
0x7c: {  	_ =	shalt  }
0x7d: {  	_ =	shalt  }
0x7e: {  	_ =	shalt  }
0x7f: {  	_ =	shalt  }
0x80: {  	_ =	shalt  }
0x81: {  	_ =	shalt  }
0x82: {  	_ =	shalt  }
0x83: {  	_ =	shalt  }
0x84: {  	_ =	shalt  }
0x85: {  	_ =	shalt  }
0x86: {  	_ =	shalt  }
0x87: {  	_ =	shalt  }
.Lfunc_end0:
.L_simem_size_0:
called_computation.2_lowered:
.L_overlay_start_0:
0x88: {  	s2 =	sld [smem:$0x3FD9]  }
0x89: {  	s3 =	sld [smem:$0x3FFE];
	_ =	sdelay $0x1  }
0x8a: {  	s1 =	srdreg.scid  }
0x8b: {  	s0 =	sand.u32 $0x1, s1  }
0x8c: {  	s17 =	sshll.u32 s0, $0xA;
	s2 =	sadd.s32 s3, s2  }
0x8d: {  	s2 =	sadd.s32 s2, s17  }
0x8e: {  	[smem:$0x3FBA] =	sst s2  }
0x8f: {  	_ = 	snop  }
0x90: {  	s18 =	sld [smem:$0x3FD0];
	(tm) =	ssettm $0x1  }
0x91: {  	s19 =	sld [smem:$0x3FFB];
	_ =	sdelay $0x3  }
0x92: {  	_ =	strace s19  }
0x93: {  	s2 =	sld [smem:$0x3FFC];
	_ =	sdelay $0x3  }
0x94: {  	_ =	strace s2  }
0x95: {  	s2 =	sld [smem:$0x3FFD];
	_ =	sdelay $0x3  }
0x96: {  	_ =	strace s2  }
0x97: {  	_ =	strace $0x8FFFFFFF  }
0x98: {  	s20 =	sld [smem:$0x3FDB];
	_ =	sdelay $0x1  }
0x99: {  	s4 =	simm.s32 $_scs_section_size  }
0x9a: {  	s5 =	simm.s32 $_size__tile_overlayer_lowered;
	s6 =	simm.s32 $_tile_overlayer_lowered  }
0x9b: {  	s7 =	simm.s32 $0x1BFF;
	s21 =	sshll.u32 s6, $0x1;
	s4 =	sadd.s32 s4, s20  }
0x9c: {  	s22 =	simm.s32 $0x0;
	s5 =	sshll.u32 s5, $0x1;
	s6 =	sadd.s32 s21, s4  }
0x9d: {  	[timem:s22], [sflag:s7] =	dma.local [hbm:s6], s5  }
0x9e: {  	_ =	swait.ge [sflag:s7], s5  }
0x9f: {  	s5 =	ssub.s32 $0x0, s5;
	[sflag:s7] =	ssyncset.done $0x0  }
0xa0: {  	[sflag:s7] =	ssyncadd.s32 s5;
	_ =	sdelay $0x1  }
0xa1: {  	s23 =	simm.s32 $0x1B8B  }
0xa2: {  	_ =	swait.ge [sflag:s23], $0x1  }
0xa3: {  	[sflag:s23] =	ssyncset.done $0x0  }
0xa4: {  	[sflag:s23] =	ssyncadd.s32 $0xFFFFFFFF  }
0xa5: {  	s5 =	sld [smem:$0x0]  }
0xa6: {  	s6 =	sand.u32 $0xFFFFFFFE, s1  }
0xa7: {  	p0 =	sne.s32 s1, s6  }
0xa8: {  	s6 =	sshll.u32 @p0 s6, $0xE  }
0xa9: {  	s6 =	sadd.s32 @p0 $0x11B8D, s6;
	s7 =	sshll.u32 @p0 s5, $0x11  }
0xaa: {  	s6 =	sor.u32 @p0 s7, s6  }
0xab: {  	[sflag:s6] =	ssyncadd.remote.s32 @p0 $0x1;
	_ =	sdelay $0x1  }
0xac: {  	s6 =	simm.s32 @p0 $0x1B8D  }
0xad: {  	_ =	swait.eq @p0 [sflag:s6], $0x1  }
0xae: {  	[sflag:s6] =	ssyncadd.s32 @p0 $0xFFFFFFFF  }
0xaf: {  	s7 =	sshll.u32 @!p0 s1, $0xE  }
0xb0: {  	s7 =	sor.u32 @!p0 $0x4000, s7;
	s6 =	simm.s32 @!p0 $0x1B8D  }
0xb1: {  	s5 =	sshll.u32 @!p0 s5, $0x11;
	s7 =	sadd.s32 @!p0 $0x11B8D, s7;
	_ =	swait.eq @!p0 [sflag:s6], $0x1  }
0xb2: {  	s5 =	sor.u32 @!p0 s5, s7;
	[sflag:s6] =	ssyncadd.s32 @!p0 $0xFFFFFFFF  }
0xb3: {  	s25 =	simm.s32 $0x1B8E;
	s24 =	sld [smem:$0x3FFE];
	[sflag:s5] =	ssyncadd.remote.s32 @!p0 $0x1  }
0xb4: {  	s26 =	simm.s32 $execute0_lowered;
	[smem:$0x3FD2] =	sst s25  }
0xb5: {  	s6 =	sshll.u32 s26, $0x1;
	_ =	strace $0x8000004C;
	[dreg:$0x1] =	wrdreg $0xFFFFFFFF  }
0xb6: {  	s28 =	simm.s32 $_size_execute0_lowered;
	s4 =	sadd.s32 s4, s6;
	[dreg:$0x0] =	wrdreg $0x0  }
0xb7: {  	s6 =	sshll.u32 s28, $0x1;
	[dreg:$0x2] =	wrdreg s4  }
0xb8: {  	[dreg:$0x3] =	wrdreg s6  }
0xb9: {  	[dreg:$0x4] =	wrdreg $0xC0  }
0xba: {  	_ =	task [dreg:s22], $0x5FFFF  }
0xbb: {  	[dreg:$0x1] =	wrdreg $0xFFFFFFFF  }
0xbc: {  	[dreg:$0x0] =	wrdreg $0x60  }
0xbd: {  	[dreg:$0x2] =	wrdreg s18  }
0xbe: {  	[dreg:$0x3] =	wrdreg s24  }
0xbf: {  	[dreg:$0x4] =	wrdreg $0x90000  }
0xc0: {  	[dreg:$0x5] =	wrdreg $0xA  }
0xc1: {  	_ =	task.clear_ibuf [dreg:s22], $0x6FFFF;
	_ =	strace $0x9000004C  }
0xc2: {  	s29 =	simm.s32 $0xA;
	_ =	strace $0x8000004E  }
0xc3: {  	_ =	swait.ge [sflag:s29], $0x1  }
0xc4: {  	[sflag:s29] =	ssyncadd.s32 $0xFFFFFFFF  }
0xc5: {  	_ =	strace $0x9000004E  }
0xc6: {  	_ =	sfence  }
0xc7: {  	s30 =	sld [smem:$0x0];
	_ =	sdelay $0x2  }
0xc8: {  	s31 =	sshll.u32 s1, $0xD;
	s1 =	sshrl.u32 s1, $0x2  }
0xc9: {  	s4 =	sand.u32 $0x4000, s31;
	s1 =	sadd.s32 s1, s30  }
0xca: {  	s0 =	sor.u32 s4, s0;
	s1 =	sshll.u32 s1, $0x11  }
0xcb: {  	s0 =	sor.u32 s1, s0  }
0xcc: {  	s0 =	sadd.s32 $0x8F2B, s0  }
0xcd: {  	[sflag:s0] =	ssyncadd.remote.s32 $0x1  }
0xce: {  	_ =	sfence.sel $0xFFFF  }
0xcf: {  	[dreg:$0x0] =	wrdreg $0xFFFFFFFF;
	(pc) =	sbr.abs _section_cstart, $3  }
0xd0: {  	[dreg:$0x1] =	wrdreg $0xFFFFFFFF  }
0xd1: {  	_ =	task.clear_ibuf [dreg:s22], $0x2FFFF;
	_ =	strace $0x9FFFFFFF  }
0xd2: {  	(tm) =	ssettm $0x7FFFFFFF  }
0xd3: {  	_ =	shalt  }
tec
execute0_lowered:
.L_overlay_start_1:
0x0: {  	(tag) =	ssettag $0x1  }
0x1: {  	s6 =	rddreg [dreg:$0x0]  }
0x2: {  	s4 =	rddreg [dreg:$0x1]  }
0x3: {  	s2 =	rddreg [dreg:$0x2]  }
0x4: {  	s0 =	rddreg [dreg:$0x3]  }
0x5: {  	s1 =	stileid.u32;
	s5 =	srdreg.scid;
	s3 =	simm.s32 $0x0  }
0x6: {  	s16 =	simm.s32 $0x50;
	s17 =	simm.s32 $0x2;
	s18 =	simm.s32 $0x3E00  }
0x7: {  	s19 =	simm.s32 $0x0;
	s7 =	smul.u32 $0x13C00, s1;
	s5 =	sand.u32 $0x1, s5  }
0x8: {  	[smem:$0x7FF] =	sst s3;
	s10 =	sadd.s32 $0x1D5FC00, s4;
	s11 =	smul.u32 $0x4F000, s1  }
0x9: {  	s24 =	sshll.u32 s1, $0x1;
	s29 =	smul.u32 $0x4E200, s1;
	s30 =	sshll.u32 s1, $0x6  }
0xa: {  	s8 =	smul.u32 $0x13C000, s5;
	_ =	strace $0x8000004D;
	s25 =	ssub.s32 $0x2, s5  }
0xb: {  	s26 =	sor.u32 s5, s24;
	s15 =	smul.u32 $0x27100, s5;
	s5 =	sor.u32 $0x1C03, s30  }
0xc: {  	s9 =	sshrl.u32 s7, $0x3;
	s28 =	sshrl.u32 s25, $0x1;
	s11 =	sshrl.u32 s11, $0x2  }
0xd: {  	s13 =	smul.u32 $0x27100, s26;
	s9 =	sadd.s32 s9, s4;
	s7 =	sadd.s32 s7, s8  }
0xe: {  	s14 =	ssub.s32 s25, s28;
	s11 =	sadd.s32 s11, s2;
	s8 =	sadd.s32 s29, s10  }
0xf: {  	s7 =	sshrl.u32 s7, $0x3;
	s31 =	sadd.s32 s15, s8;
	s11 =	sshrl.u32 s11, $0x3  }
0x10: {  	s15 =	simm.s32 $0x1;
	s12 =	sadd.s32 s7, s4;
	s4 =	sadd.s32 $0x7A200, s9  }
0x11: {  	s7 =	sshll.u32 s26, $0xB;
	s9 =	smax.u32 s14, $0x1;
	s14 =	simm.s32 $0x6800  }
0x12: {  	s6 =	sadd.s32 s6, s7;
	s7 =	sadd.s32 s10, s13;
	s8 =	sadd.s32 $0xA1A00, s12  }
0x13: {  	s10 =	sadd.s32 $0xA00, s31;
	s12 =	simm.s32 $0x3;
	s13 =	simm.s32 $0x4000  }
.LBB2_1:
0x14: {  	[spmem:s11], [sflag:s5] =	dma.local [hbm:s4], $0x2780  }
0x15: {  	_ =	swait.ge [sflag:s12], $0x2780  }
0x16: {  	[sflag:s12] =	ssyncset.done $0x0  }
0x17: {  	[sflag:s12] =	ssyncadd.s32 $0xFFFFD880  }
0x18: {  	[tilespmem:s3], [sflag:$0x3] =	stream.linear.gather [hbm4b:s6+s3], $0x3E80, $0x38;
	[tilespmem:$0xA3C0] =	vst v63  }
0x19: {  	_ =	swait.ge [sflag:s12], $0x3E80  }
0x1a: {  	[sflag:s12] =	ssyncset.done $0x0  }
0x1b: {  	[sflag:s12] =	ssyncadd.s32 $0xFFFFC180  }
0x1c: {  	[bflag:$0x0] =	sbarrier.arrive $0xFFFF  }
0x1d: {  	[tilespmem:s13], [sflag:$0x1] =	stream.linear.gather [hbm4b:s7+s3], $0x2800, $0x38;
	[tilespmem:$0xA3C0] =	vst v63  }
0x1e: {  	s20 =	sadd.s32 $0xFFFFFB00, s10  }
0x1f: {  	[tilespmem:s14], [sflag:$0x2] =	stream.linear.gather [hbm4b:s20+s3], $0x2800, $0x38;
	[tilespmem:$0xA3C0] =	vst v63  }
0x20: {  	_ =	swait.ge [sflag:s15], $0x2800  }
0x21: {  	[sflag:s15] =	ssyncset.done $0x0  }
0x22: {  	s30 =	simm.s32 $0x0;
	[sflag:s15] =	ssyncadd.s32 $0xFFFFD800  }
0x23: {  	[spmem:s2] =	stream.indirect.scatter.add.f32 [tilespmem:s13], [sflag:$0x3], $0x8, s30, s16, $0xb8;
	[tilespmem:$0xA3C0] =	vst v63  }
0x24: {  	_ =	swait.ge [sflag:s12], $0x280  }
0x25: {  	[sflag:s12] =	ssyncset.done $0x0  }
0x26: {  	[sflag:s12] =	ssyncadd.s32 $0xFFFFFD80  }
0x27: {  	[tilespmem:s13], [sflag:$0x1] =	stream.linear.gather [hbm4b:s10+s3], $0x2800, $0x38;
	[tilespmem:$0xA3C0] =	vst v63  }
0x28: {  	_ =	swait.ge [sflag:s17], $0x2800  }
0x29: {  	[sflag:s17] =	ssyncset.done $0x0  }
0x2a: {  	s31 =	simm.s32 $0x80;
	[sflag:s17] =	ssyncadd.s32 $0xFFFFD800  }
0x2b: {  	[spmem:s2] =	stream.indirect.scatter.add.f32 [tilespmem:s14], [sflag:$0x3], $0x8, s31, s16, $0xb8;
	[tilespmem:$0xA3C0] =	vst v63  }
0x2c: {  	s21 =	simm.s32 $0x400;
	_ =	swait.ge [sflag:s12], $0x280  }
0x2d: {  	s22 =	simm.s32 $0x800;
	s20 =	sadd.s32 $0xA00, s10;
	[sflag:s12] =	ssyncset.done $0x0  }
.LBB2_2:
0x2e: {  	p0 =	sne.s32 s22, $0xF400;
	s23 =	sadd.s32 $0xFFFFFB00, s20;
	[sflag:s12] =	ssyncadd.s32 $0xFFFFFD80  }
0x2f: {  	[tilespmem:s14], [sflag:$0x2] =	stream.linear.gather [hbm4b:s23+s3], $0x2800, $0x38;
	[tilespmem:$0xA3C0] =	vst v63  }
0x30: {  	s23 =	smov.u32 s22;
	s22 =	sadd.s32 $0x400, s22;
	_ =	swait.ge [sflag:s15], $0x2800  }
0x31: {  	[sflag:s15] =	ssyncset.done $0x0  }
0x32: {  	s24 =	sshra.s32 s21, $0x2;
	s21 =	smov.u32 s23;
	[sflag:s15] =	ssyncadd.s32 $0xFFFFD800  }
0x33: {  	[spmem:s2] =	stream.indirect.scatter.add.f32 [tilespmem:s13], [sflag:$0x3], $0x8, s24, s16, $0xb8;
	[tilespmem:$0xA3C0] =	vst v63  }
0x34: {  	_ =	swait.ge [sflag:s12], $0x280  }
0x35: {  	[sflag:s12] =	ssyncset.done $0x0  }
0x36: {  	[sflag:s12] =	ssyncadd.s32 $0xFFFFFD80  }
0x37: {  	[tilespmem:s13], [sflag:$0x1] =	stream.linear.gather [hbm4b:s20+s3], $0x2800, $0x38;
	[tilespmem:$0xA3C0] =	vst v63  }
0x38: {  	_ =	swait.ge [sflag:s17], $0x2800  }
.Ltmp0:
0x39: {  	[sflag:s17] =	ssyncset.done $0x0;
	(pc) =	sbr.rel @p0 .LBB2_2-.Ltmp0, $4  }
0x3a: {  	s23 =	sadd.s32 $0x80, s24;
	[sflag:s17] =	ssyncadd.s32 $0xFFFFD800  }
0x3b: {  	[spmem:s2] =	stream.indirect.scatter.add.f32 [tilespmem:s14], [sflag:$0x3], $0x8, s23, s16, $0xb8;
	[tilespmem:$0xA3C0] =	vst v63  }
0x3c: {  	_ =	swait.ge [sflag:s12], $0x280  }
0x3d: {  	s20 =	sadd.s32 $0xA00, s20;
	[sflag:s12] =	ssyncset.done $0x0  }
0x3e: {  	s22 =	sadd.s32 $0xFFFFFB00, s20;
	[sflag:s12] =	ssyncadd.s32 $0xFFFFFD80  }
0x3f: {  	[tilespmem:s14], [sflag:$0x2] =	stream.linear.gather [hbm4b:s22+s3], $0x2800, $0x38;
	[tilespmem:$0xA3C0] =	vst v63  }
0x40: {  	_ =	swait.ge [sflag:s15], $0x2800  }
0x41: {  	[sflag:s15] =	ssyncset.done $0x0  }
0x42: {  	s21 =	sshra.s32 s21, $0x2;
	[sflag:s15] =	ssyncadd.s32 $0xFFFFD800  }
0x43: {  	[spmem:s2] =	stream.indirect.scatter.add.f32 [tilespmem:s13], [sflag:$0x3], $0x8, s21, s16, $0xb8;
	[tilespmem:$0xA3C0] =	vst v63  }
0x44: {  	_ =	swait.ge [sflag:s12], $0x280  }
0x45: {  	[sflag:s12] =	ssyncset.done $0x0  }
0x46: {  	[sflag:s12] =	ssyncadd.s32 $0xFFFFFD80  }
0x47: {  	[tilespmem:s13], [sflag:$0x1] =	stream.linear.gather [hbm4b:s20+s3], $0x2800, $0x38;
	[tilespmem:$0xA3C0] =	vst v63  }
0x48: {  	_ =	swait.ge [sflag:s17], $0x2800  }
0x49: {  	[sflag:s17] =	ssyncset.done $0x0  }
0x4a: {  	s31 =	sadd.s32 $0x80, s21;
	[sflag:s17] =	ssyncadd.s32 $0xFFFFD800  }
0x4b: {  	[spmem:s2] =	stream.indirect.scatter.add.f32 [tilespmem:s14], [sflag:$0x3], $0x8, s31, s16, $0xb8;
	[tilespmem:$0xA3C0] =	vst v63  }
0x4c: {  	_ =	swait.ge [sflag:s12], $0x280  }
0x4d: {  	[sflag:s12] =	ssyncset.done $0x0  }
0x4e: {  	[sflag:s12] =	ssyncadd.s32 $0xFFFFFD80  }
0x4f: {  	_ =	swait.ge [sflag:s15], $0x2800  }
0x50: {  	[sflag:s15] =	ssyncset.done $0x0  }
0x51: {  	[sflag:s15] =	ssyncadd.s32 $0xFFFFD800  }
0x52: {  	[spmem:s2] =	stream.indirect.scatter.add.f32 [tilespmem:s13], [sflag:$0x3], $0x8, s18, s16, $0xb8;
	[tilespmem:$0xA3C0] =	vst v63  }
0x53: {  	_ =	swait.ge [sflag:s12], $0x280  }
0x54: {  	s19 =	sadd.s32 $0x1, s19;
	[sflag:s12] =	ssyncset.done $0x0  }
0x55: {  	p0 =	sne.s32 s19, s9;
	[sflag:s12] =	ssyncadd.s32 $0xFFFFFD80  }
.Ltmp1:
0x56: {  	[bflag:$0x0] =	sbarrier.arrive $0xFFFF;
	(pc) =	sbr.rel @p0 .LBB2_1-.Ltmp1, $4  }
0x57: {  	[hbm:s8], [sflag:s5] =	dma.local [spmem:s11], $0x2780  }
0x58: {  	_ =	swait.ge [sflag:s12], $0x2780  }
0x59: {  	[sflag:s12] =	ssyncset.done $0x0  }
0x5a: {  	[sflag:s12] =	ssyncadd.s32 $0xFFFFD880  }
0x5b: {  	_ =	sfence.sel $0x180000  }
0x5c: {  	[bflag:$0x0] =	sbarrier.arrive $0xFFFF  }
0x5d: {  	p0 =	sne.s32 s1, $0x0;
	_ =	strace $0x9000004D  }
0x5e: {  	s0 =	sadd.s32 @!p0 $0x100000, s0;
	[bflag:$0x2] =	sbarrier.arrive $0xFFFF  }
0x5f: {  	[sflag:s0] =	ssyncadd.tile.s32 @!p0 $0x1;
	_ =	shalt  }
.Lfunc_end2:
_tile_overlayer_lowered:
.L_overlay_start_2:
0x60: {  	(tag) =	ssettag $0x2  }
0x61: {  	s0 =	rddreg [dreg:$0x0];
	s2 =	stileid.u32  }
0x62: {  	s1 =	rddreg [dreg:$0x1];
	p0 =	sne.s32 s2, $0x0  }
0x63: {  	s3 =	rddreg [dreg:$0x2];
	[bflag:$0x3] =	sbarrier.arrive $0xFFFF;
	s2 =	simm.s32 @!p0 $0x1C03  }
0x64: {  	[timem:s3], [sflag:s2] =	dma.local @!p0 [hbm:s0], s1  }
0x65: {  	s0 =	simm.s32 @!p0 $0x3  }
0x66: {  	_ =	swait.ge @!p0 [sflag:s0], s1  }
0x67: {  	s1 =	ssub.s32 @!p0 $0x0, s1;
	[sflag:s0] =	ssyncset.done @!p0 $0x0  }
0x68: {  	[sflag:s0] =	ssyncadd.s32 @!p0 s1  }
0x69: {  	[bflag:$0x3] =	sbarrier.arrive $0xFFFF  }
0x6a: {  	_ =	shalt  }

// kernel: kernel.7.cloned.1.call-start
scs
__scs_entry_jumppad:
0x0: {  	(pc) =	sbr.rel $0x88, $3  }
0x1: {  	(tag) =	ssettag $0x0;
	lr =	simm.s32 $0x1  }
0x2: {  	[smem:$0x3F93] =	sst lr;
	_ =	strace $0xD0000000  }
0x3: {  	_ = 	snop  }
0x4: {  	_ = 	snop  }
0x5: {  	_ = 	snop  }
0x6: {  	_ = 	snop  }
0x7: {  	_ = 	snop  }
__scs_overlays_trampoline_lowered:
0x8: {  	[smem:$0x3FA2] =	sst s0  }
0x9: {  	[smem:$0x3FA3] =	sst s1  }
0xa: {  	[smem:$0x3FA4] =	sst s2  }
0xb: {  	[smem:$0x3FA5] =	sst s3  }
0xc: {  	[smem:$0x3FA6] =	sst s4  }
0xd: {  	[smem:$0x3FA7] =	sst s5  }
0xe: {  	[smem:$0x3FA8] =	sst s6  }
0xf: {  	[smem:$0x3FA9] =	sst s7  }
0x10: {  	[smem:$0x3FAA] =	sst s8  }
0x11: {  	[smem:$0x3FAB] =	sst s9;
	s0 =	simm.s32 @!p0 $0x0  }
0x12: {  	s1 =	sld [smem:$0x3F91];
	s0 =	simm.s32 @p0 $0x1  }
0x13: {  	[smem:$0x3FAC] =	sst s0;
	s0 =	simm.s32 @!p1 $0x0  }
0x14: {  	s2 =	sld [smem:$0x3F90];
	s0 =	simm.s32 @p1 $0x1  }
0x15: {  	[smem:$0x3FAD] =	sst s0;
	s0 =	simm.s32 @!p2 $0x0  }
0x16: {  	s3 =	sld [smem:$0x3FDB];
	s0 =	simm.s32 @p2 $0x1  }
0x17: {  	s4 =	simm.s32 $0x1BF5;
	[smem:$0x3FAF] =	sst s0  }
0x18: {  	s0 =	sld [smem:$0x3F92];
	_ =	swait.ge [sflag:s4], $0x0  }
0x19: {  	s7 =	sld [smem:$0x3F93]  }
0x1a: {  	s8 =	sadd.s32 $0xFFFFE003, lr  }
0x1b: {  	s9 =	sadd.s32 $0xFFFFFEF7, lr;
	s5 =	simm.s32 $0xFFFFFFFF;
	p2 =	slt.u32 s8, $0xFFFFF086  }
0x1c: {  	p1 =	slt.u32 s9, $0xF7A;
	s5 =	simm.s32 @!p2 $0x0  }
0x1d: {  	s5 =	simm.s32 @p1 $0x1;
	p0 =	seq.s32 s7, s2  }
0x1e: {  	s7 =	smul.u32 @!p0 $0xF7A, s2;
	p2 =	seq.s32 @!p0 s5, $0x0  }
0x1f: {  	s9 =	smul.u32 $0xF7A, s1;
	s8 =	simm.s32 @!p0 $0x1BF5;
	p2 =	por !p2, p0  }
0x20: {  	[sflag:s8] =	ssyncset.s32 @!p0 $0xFFFFF086;
	s6 =	sadd.s32 @!p0 s3, s7;
	s7 =	simm.s32 @!p0 $0x108  }
0x21: {  	s3 =	sadd.s32 s3, s9;
	s6 =	sadd.s32 @!p0 $0x88, s6;
	s7 =	simm.s32 @p2 $0x1082  }
0x22: {  	[simem:s7], [sflag:s8] =	dma.local @!p0 [hbm:s6], $0xF7A  }
0x23: {  	s9 =	sor.u32 $0xD0000000, s2;
	s6 =	simm.s32 $0x108;
	_ =	swait.ge @!p0 [sflag:s8], $0x0  }
0x24: {  	s3 =	sadd.s32 $0x88, s3;
	s6 =	simm.s32 @!p1 $0x1082;
	[sflag:s4] =	ssyncset.s32 $0xFFFFF086  }
0x25: {  	[simem:s6], [sflag:s4] =	dma.local [hbm:s3], $0xF7A  }
0x26: {  	[smem:$0x3F93] =	sst s1;
	(tag) =	ssettag s2;
	_ =	strace s9  }
0x27: {  	s1 =	sld [smem:$0x3FA3]  }
0x28: {  	s2 =	sld [smem:$0x3FA4]  }
0x29: {  	s4 =	sld [smem:$0x3FA6]  }
0x2a: {  	p0 =	seq.s32 s5, $0x0;
	s5 =	sld [smem:$0x3FA7]  }
0x2b: {  	s6 =	sld [smem:$0x3FA8]  }
0x2c: {  	s7 =	sld [smem:$0x3FA9]  }
0x2d: {  	s3 =	simm.s32 $0x108;
	s8 =	sld [smem:$0x3FAA]  }
0x2e: {  	s3 =	simm.s32 @!p0 $0x1082;
	s9 =	sld [smem:$0x3FAB]  }
0x2f: {  	lr =	sadd.s32 s0, s3;
	s0 =	sld [smem:$0x3FA2]  }
0x30: {  	s3 =	sld [smem:$0x3FA5]  }
0x31: {  	[smem:$0x3FAE] =	sst s10  }
0x32: {  	s10 =	sld [smem:$0x3FAC];
	_ =	sdelay $0x3  }
0x33: {  	p0 =	seq.s32 s10, $0x1;
	s10 =	sld [smem:$0x3FAE];
	_ =	sdelay $0x3  }
0x34: {  	[smem:$0x3FAE] =	sst s10  }
0x35: {  	s10 =	sld [smem:$0x3FAD];
	_ =	sdelay $0x3  }
0x36: {  	p1 =	seq.s32 s10, $0x1;
	s10 =	sld [smem:$0x3FAE];
	_ =	sdelay $0x3  }
0x37: {  	[smem:$0x3FAE] =	sst s10  }
0x38: {  	s10 =	sld [smem:$0x3FAF]  }
0x39: {  	_ = 	snop;
	(pc) =	sbr.ind lr, $3  }
0x3a: {  	_ = 	snop  }
0x3b: {  	_ = 	snop  }
0x3c: {  	p2 =	seq.s32 s10, $0x1;
	s10 =	sld [smem:$0x3FAE]  }
0x3d: {  	_ =	shalt  }
0x3e: {  	_ =	shalt  }
0x3f: {  	_ =	shalt  }
0x40: {  	_ =	shalt  }
0x41: {  	_ =	shalt  }
0x42: {  	_ =	shalt  }
0x43: {  	_ =	shalt  }
0x44: {  	_ =	shalt  }
0x45: {  	_ =	shalt  }
0x46: {  	_ =	shalt  }
0x47: {  	_ =	shalt  }
0x48: {  	_ =	shalt  }
0x49: {  	_ =	shalt  }
0x4a: {  	_ =	shalt  }
0x4b: {  	_ =	shalt  }
0x4c: {  	_ =	shalt  }
0x4d: {  	_ =	shalt  }
0x4e: {  	_ =	shalt  }
0x4f: {  	_ =	shalt  }
0x50: {  	_ =	shalt  }
0x51: {  	_ =	shalt  }
0x52: {  	_ =	shalt  }
0x53: {  	_ =	shalt  }
0x54: {  	_ =	shalt  }
0x55: {  	_ =	shalt  }
0x56: {  	_ =	shalt  }
0x57: {  	_ =	shalt  }
0x58: {  	_ =	shalt  }
0x59: {  	_ =	shalt  }
0x5a: {  	_ =	shalt  }
0x5b: {  	_ =	shalt  }
0x5c: {  	_ =	shalt  }
0x5d: {  	_ =	shalt  }
0x5e: {  	_ =	shalt  }
0x5f: {  	_ =	shalt  }
0x60: {  	_ =	shalt  }
0x61: {  	_ =	shalt  }
0x62: {  	_ =	shalt  }
0x63: {  	_ =	shalt  }
0x64: {  	_ =	shalt  }
0x65: {  	_ =	shalt  }
0x66: {  	_ =	shalt  }
0x67: {  	_ =	shalt  }
0x68: {  	_ =	shalt  }
0x69: {  	_ =	shalt  }
0x6a: {  	_ =	shalt  }
0x6b: {  	_ =	shalt  }
0x6c: {  	_ =	shalt  }
0x6d: {  	_ =	shalt  }
0x6e: {  	_ =	shalt  }
0x6f: {  	_ =	shalt  }
0x70: {  	_ =	shalt  }
0x71: {  	_ =	shalt  }
0x72: {  	_ =	shalt  }
0x73: {  	_ =	shalt  }
0x74: {  	_ =	shalt  }
0x75: {  	_ =	shalt  }
0x76: {  	_ =	shalt  }
0x77: {  	_ =	shalt  }
0x78: {  	_ =	shalt  }
0x79: {  	_ =	shalt  }
0x7a: {  	_ =	shalt  }
0x7b: {  	_ =	shalt  }
0x7c: {  	_ =	shalt  }
0x7d: {  	_ =	shalt  }
0x7e: {  	_ =	shalt  }
0x7f: {  	_ =	shalt  }
0x80: {  	_ =	shalt  }
0x81: {  	_ =	shalt  }
0x82: {  	_ =	shalt  }
0x83: {  	_ =	shalt  }
0x84: {  	_ =	shalt  }
0x85: {  	_ =	shalt  }
0x86: {  	_ =	shalt  }
0x87: {  	_ =	shalt  }
.Lfunc_end0:
.L_simem_size_0:
called_computation_lowered:
.L_overlay_start_0:
0x88: {  	s2 =	sld [smem:$0x3FD9]  }
0x89: {  	s3 =	sld [smem:$0x3FFE];
	_ =	sdelay $0x1  }
0x8a: {  	s1 =	srdreg.scid  }
0x8b: {  	s0 =	sand.u32 $0x1, s1  }
0x8c: {  	s17 =	sshll.u32 s0, $0xA;
	s2 =	sadd.s32 s3, s2  }
0x8d: {  	s2 =	sadd.s32 s2, s17  }
0x8e: {  	[smem:$0x3FBA] =	sst s2  }
0x8f: {  	_ = 	snop  }
0x90: {  	s2 =	sld [smem:$0x3FC4]  }
0x91: {  	s18 =	sld [smem:$0x3FD0];
	(tm) =	ssettm $0x1  }
0x92: {  	s4 =	sld [smem:$0x3FFB];
	_ =	sdelay $0x3  }
0x93: {  	_ =	strace s4  }
0x94: {  	s4 =	sld [smem:$0x3FFC];
	_ =	sdelay $0x3  }
0x95: {  	_ =	strace s4  }
0x96: {  	s4 =	sld [smem:$0x3FFD];
	_ =	sdelay $0x3  }
0x97: {  	_ =	strace s4  }
0x98: {  	_ =	strace $0x8FFFFFFF  }
0x99: {  	s19 =	sld [smem:$0x3FDB];
	_ =	sdelay $0x1  }
0x9a: {  	s5 =	simm.s32 $_scs_section_size  }
0x9b: {  	s6 =	simm.s32 $_size__tile_overlayer_lowered;
	s7 =	simm.s32 $_tile_overlayer_lowered  }
0x9c: {  	s22 =	simm.s32 $0x1BFF;
	s21 =	sshll.u32 s7, $0x1;
	s4 =	sadd.s32 s5, s19  }
0x9d: {  	s8 =	simm.s32 $0x0;
	s20 =	sshll.u32 s6, $0x1;
	s6 =	sadd.s32 s21, s4  }
0x9e: {  	[timem:s8], [sflag:s22] =	dma.local [hbm:s6], s20  }
0x9f: {  	_ =	swait.ge [sflag:s22], s20  }
0xa0: {  	s5 =	ssub.s32 $0x0, s20;
	[sflag:s22] =	ssyncset.done $0x0  }
0xa1: {  	[sflag:s22] =	ssyncadd.s32 s5;
	_ =	sdelay $0x1  }
0xa2: {  	s23 =	simm.s32 $0x1B8B  }
0xa3: {  	_ =	swait.ge [sflag:s23], $0x1  }
0xa4: {  	[sflag:s23] =	ssyncset.done $0x0  }
0xa5: {  	s25 =	simm.s32 $0x1B8E;
	s24 =	sld [smem:$0x3FFE];
	[sflag:s23] =	ssyncadd.s32 $0xFFFFFFFF  }
0xa6: {  	s26 =	simm.s32 $execute0_lowered;
	[smem:$0x3FD2] =	sst s25  }
0xa7: {  	s6 =	sshll.u32 s26, $0x1;
	_ =	strace $0x80000046;
	[dreg:$0x1] =	wrdreg $0xFFFFFFFF  }
0xa8: {  	s28 =	simm.s32 $_size_execute0_lowered;
	s4 =	sadd.s32 s4, s6;
	[dreg:$0x0] =	wrdreg $0x0  }
0xa9: {  	s6 =	sshll.u32 s28, $0x1;
	[dreg:$0x2] =	wrdreg s4  }
0xaa: {  	[dreg:$0x3] =	wrdreg s6  }
0xab: {  	[dreg:$0x4] =	wrdreg $0xC0  }
0xac: {  	_ =	task [dreg:s8], $0x5FFFF  }
0xad: {  	[dreg:$0x1] =	wrdreg $0xFFFFFFFF  }
0xae: {  	[dreg:$0x0] =	wrdreg $0x60  }
0xaf: {  	[dreg:$0x2] =	wrdreg s2  }
0xb0: {  	[dreg:$0x3] =	wrdreg s24  }
0xb1: {  	[dreg:$0x4] =	wrdreg s18  }
0xb2: {  	[dreg:$0x5] =	wrdreg $0x9  }
0xb3: {  	_ =	task.clear_ibuf [dreg:s8], $0x6FFFF;
	_ =	strace $0x90000046  }
0xb4: {  	s29 =	simm.s32 $0x9;
	_ =	strace $0x80000048  }
0xb5: {  	_ =	swait.ge [sflag:s29], $0x1  }
0xb6: {  	[sflag:s29] =	ssyncadd.s32 $0xFFFFFFFF  }
0xb7: {  	_ =	strace $0x90000048  }
0xb8: {  	_ =	sfence  }
0xb9: {  	s30 =	sld [smem:$0x0];
	_ =	sdelay $0x2  }
0xba: {  	s31 =	sshll.u32 s1, $0xD;
	s1 =	sshrl.u32 s1, $0x2  }
0xbb: {  	s3 =	sand.u32 $0x4000, s31;
	s1 =	sadd.s32 s1, s30  }
0xbc: {  	s0 =	sor.u32 s3, s0;
	s1 =	sshll.u32 s1, $0x11  }
0xbd: {  	s0 =	sor.u32 s1, s0  }
0xbe: {  	s0 =	sadd.s32 $0x8F2B, s0  }
0xbf: {  	[sflag:s0] =	ssyncadd.remote.s32 $0x1  }
0xc0: {  	_ =	sfence.sel $0xFFFF  }
0xc1: {  	[dreg:$0x0] =	wrdreg $0xFFFFFFFF;
	(pc) =	sbr.abs _section_cstart, $3  }
0xc2: {  	[dreg:$0x1] =	wrdreg $0xFFFFFFFF  }
0xc3: {  	_ =	task.clear_ibuf [dreg:s8], $0x2FFFF;
	_ =	strace $0x9FFFFFFF  }
0xc4: {  	(tm) =	ssettm $0x7FFFFFFF  }
0xc5: {  	_ =	shalt  }
tec
execute0_lowered:
.L_overlay_start_1:
0x0: {  	(tag) =	ssettag $0x1  }
0x1: {  	s1 =	rddreg [dreg:$0x0]  }
0x2: {  	s0 =	rddreg [dreg:$0x1]  }
0x3: {  	s5 =	rddreg [dreg:$0x2]  }
0x4: {  	s3 =	simm.s32 $0x0;
	s4 =	srdreg.scid;
	s2 =	stileid.u32  }
0x5: {  	s10 =	simm.s32 $0x4000;
	s11 =	simm.s32 $0x50;
	s15 =	simm.s32 $0xA800  }
0x6: {  	s16 =	simm.s32 $0x4080;
	s17 =	simm.s32 $0x14800;
	s18 =	simm.s32 $0x100  }
0x7: {  	s19 =	simm.s32 $0xD000;
	s20 =	simm.s32 $0x4100;
	s21 =	simm.s32 $0x17000  }
0x8: {  	s22 =	simm.s32 $0x0;
	[smem:$0x7FF] =	sst s3;
	s4 =	sand.u32 $0x1, s4  }
0x9: {  	s6 =	sshll.u32 s2, $0xC;
	s8 =	smul.u32 $0x4E200, s2;
	s7 =	sshll.u32 s4, $0xB  }
0xa: {  	_ =	strace $0x80000047;
	s29 =	ssub.s32 $0x2, s4;
	s6 =	sor.u32 s7, s6  }
0xb: {  	s9 =	smul.u32 $0x27100, s4;
	s31 =	sshrl.u32 s29, $0x1;
	s30 =	sadd.s32 s6, s0  }
0xc: {  	s0 =	sadd.s32 s8, s0;
	s7 =	ssub.s32 s29, s31;
	s5 =	sadd.s32 s5, s6  }
0xd: {  	s4 =	sadd.s32 $0x3A00, s30;
	s0 =	sadd.s32 s9, s0;
	s6 =	smax.u32 s7, $0x1  }
0xe: {  	s9 =	simm.s32 $0x9;
	s7 =	sadd.s32 $0x13A00, s0;
	s8 =	sadd.s32 $0x4F5A00, s0  }
.LBB2_1:
0xf: {  	[tilespmem:s3], [sflag:$0x9] =	stream.linear.gather [hbm4b:s4+s3], $0x3E80, $0x38;
	[tilespmem:$0x1C000] =	vst v63  }
0x10: {  	_ =	swait.ge [sflag:s9], $0x3E80  }
0x11: {  	[sflag:s9] =	ssyncset.done $0x0  }
0x12: {  	[sflag:s9] =	ssyncadd.s32 $0xFFFFC180  }
0x13: {  	[tilespmem:s10], [sflag:$0x9] =	stream.linear.gather [hbm4b:s5+s3], $0x3E80, $0x38;
	[tilespmem:$0x1C000] =	vst v63  }
0x14: {  	_ =	swait.ge [sflag:s9], $0x3E80  }
0x15: {  	[sflag:s9] =	ssyncset.done $0x0  }
0x16: {  	s0 =	simm.s32 $0x8000;
	[sflag:s9] =	ssyncadd.s32 $0xFFFFC180  }
0x17: {  	[tilespmem:s0], [sflag:$0x1] =	stream.indirect.gather [hbm4b:s1+s11], $0x80, s3, s11, $0xb8;
	[tilespmem:$0x1C000] =	vst v63  }
0x18: {  	s2 =	simm.s32 $0x12000  }
0x19: {  	[tilespmem:s2], [sflag:$0x5] =	stream.indirect.gather [hbm4b:s1+s11], $0x80, s10, s11, $0xb8;
	[tilespmem:$0x1C000] =	vst v63  }
0x1a: {  	s12 =	simm.s32 $0x80  }
0x1b: {  	[tilespmem:s15], [sflag:$0x2] =	stream.indirect.gather [hbm4b:s1+s11], $0x80, s12, s11, $0xb8;
	[tilespmem:$0x1C000] =	vst v63  }
0x1c: {  	p0 =	por $0x0, $0x0;
	s0 =	simm.s32 $0x3  }
0x1d: {  	[tilespmem:s17], [sflag:$0x6] =	stream.indirect.gather [hbm4b:s1+s11], $0x80, s16, s11, $0xb8;
	[tilespmem:$0x1C000] =	vst v63  }
0x1e: {  	s23 =	simm.s32 $0x0;
	s25 =	simm.s32 $0x180;
	s0 =	sand.u32 @!p0 $0x3, s0  }
0x1f: {  	[tilespmem:s19], [sflag:$0x3] =	stream.indirect.gather [hbm4b:s1+s11], $0x80, s18, s11, $0xb8;
	[tilespmem:$0x1C000] =	vst v63  }
0x20: {  	s26 =	simm.s32 $0x4180;
	s23 =	sand.u32 $0x3, s23;
	s24 =	smul.u32 @!p0 $0x2800, s0  }
0x21: {  	[tilespmem:s21], [sflag:$0x7] =	stream.indirect.gather [hbm4b:s1+s11], $0x80, s20, s11, $0xb8;
	[tilespmem:$0x1C000] =	vst v63  }
0x22: {  	s30 =	simm.s32 @!p0 $0x50;
	s28 =	sadd.s32 @!p0 $0x1, s0;
	s29 =	sor.u32 @!p0 $0x8000, s24  }
0x23: {  	[tilespmem:s29], [sflag:s28] =	stream.indirect.gather @!p0 [hbm4b:s1+s30], $0x80, s25, s30, $0xb8;
	[tilespmem:$0x1C000] =	vst v63  }
0x24: {  	s13 =	sadd.s32 $0x1, s23;
	s0 =	sadd.s32 @!p0 $0x5, s0;
	s24 =	sadd.s32 @!p0 $0x12000, s24  }
0x25: {  	[tilespmem:s24], [sflag:s0] =	stream.indirect.gather @!p0 [hbm4b:s1+s30], $0x80, s26, s30, $0xb8;
	[tilespmem:$0x1C000] =	vst v63  }
0x26: {  	s14 =	smul.u32 $0x2800, s23;
	_ =	swait.ge [sflag:s13], $0x2800  }
0x27: {  	[sflag:s13] =	ssyncset.done $0x0  }
0x28: {  	s26 =	sor.u32 $0x8000, s14;
	[sflag:s13] =	ssyncadd.s32 $0xFFFFD800  }
0x29: {  	[hbm4b:s7+s3] =	stream.linear.scatter [tilespmem:s26], [sflag:$0x9], $0x2800, $0x38;
	[tilespmem:$0x1C000] =	vst v63  }
0x2a: {  	_ =	swait.ge [sflag:s9], $0x2800  }
0x2b: {  	[sflag:s9] =	ssyncset.done $0x0  }
0x2c: {  	s29 =	sadd.s32 $0x5, s23;
	[sflag:s9] =	ssyncadd.s32 $0xFFFFD800  }
0x2d: {  	_ =	swait.ge [sflag:s29], $0x2800  }
0x2e: {  	s28 =	simm.s32 $0x5;
	p0 =	por $0x0, $0x0;
	[sflag:s29] =	ssyncset.done $0x0  }
0x2f: {  	s0 =	sadd.s32 $0x12000, s14;
	s26 =	simm.s32 $0x4;
	[sflag:s29] =	ssyncadd.s32 $0xFFFFD800  }
0x30: {  	[hbm4b:s8+s3] =	stream.linear.scatter [tilespmem:s0], [sflag:$0x9], $0x2800, $0x38;
	[tilespmem:$0x1C000] =	vst v63  }
0x31: {  	s23 =	sadd.s32 $0x500, s8;
	s30 =	simm.s32 $0x1;
	s0 =	sand.u32 @!p0 $0x3, s26  }
0x32: {  	s25 =	simm.s32 $0x4200;
	s26 =	sand.u32 $0x3, s30;
	s30 =	smul.u32 @!p0 $0x2800, s0  }
0x33: {  	s24 =	sadd.s32 $0x500, s7;
	s29 =	simm.s32 $0x200;
	s31 =	sadd.s32 @!p0 $0x1, s0  }
.LBB2_2:
0x34: {  	s2 =	sor.u32 @!p0 $0x8000, s30;
	s0 =	sadd.s32 @!p0 $0x5, s0;
	_ =	swait.ge [sflag:s9], $0x2800  }
0x35: {  	s12 =	smov.u32 s28;
	s28 =	sadd.s32 $0x1, s28;
	[sflag:s9] =	ssyncset.done $0x0  }
0x36: {  	s13 =	simm.s32 @!p0 $0x50;
	p1 =	sne.s32 s28, $0x80;
	[sflag:s9] =	ssyncadd.s32 $0xFFFFD800  }
0x37: {  	[tilespmem:s2], [sflag:s31] =	stream.indirect.gather @!p0 [hbm4b:s1+s13], $0x80, s29, s13, $0xb8;
	[tilespmem:$0x1C000] =	vst v63  }
0x38: {  	s14 =	smov.u32 s23;
	s2 =	sadd.s32 @!p0 $0x12000, s30;
	s30 =	sadd.s32 $0x1, s26  }
0x39: {  	[tilespmem:s2], [sflag:s0] =	stream.indirect.gather @!p0 [hbm4b:s1+s13], $0x80, s25, s13, $0xb8;
	[tilespmem:$0x1C000] =	vst v63  }
0x3a: {  	s2 =	smul.u32 $0x2800, s26;
	_ =	swait.ge [sflag:s30], $0x2800  }
0x3b: {  	[sflag:s30] =	ssyncset.done $0x0  }
0x3c: {  	s23 =	sadd.s32 $0x500, s23;
	s0 =	sor.u32 $0x8000, s2;
	[sflag:s30] =	ssyncadd.s32 $0xFFFFD800  }
0x3d: {  	[hbm4b:s24+s3] =	stream.linear.scatter [tilespmem:s0], [sflag:$0x9], $0x2800, $0x38;
	[tilespmem:$0x1C000] =	vst v63  }
0x3e: {  	s25 =	sadd.s32 $0x80, s25;
	s24 =	sadd.s32 $0x500, s24;
	_ =	swait.ge [sflag:s9], $0x2800  }
0x3f: {  	s29 =	sadd.s32 $0x80, s29;
	s13 =	sadd.s32 $0x5, s26;
	[sflag:s9] =	ssyncset.done $0x0  }
.Ltmp0:
0x40: {  	s0 =	sadd.s32 $0xFFFFFFFD, s12;
	[sflag:s9] =	ssyncadd.s32 $0xFFFFD800;
	(pc) =	sbr.rel @p1 .LBB2_2-.Ltmp0, $4  }
0x41: {  	s26 =	sand.u32 $0x3, s0;
	p0 =	sgt.u32 s0, $0x79;
	_ =	swait.ge [sflag:s13], $0x2800  }
0x42: {  	s2 =	sadd.s32 $0x12000, s2;
	s0 =	sand.u32 @!p0 $0x3, s12;
	[sflag:s13] =	ssyncset.done $0x0  }
0x43: {  	s30 =	smul.u32 @!p0 $0x2800, s0;
	s31 =	sadd.s32 @!p0 $0x1, s0;
	[sflag:s13] =	ssyncadd.s32 $0xFFFFD800  }
0x44: {  	[hbm4b:s14+s3] =	stream.linear.scatter [tilespmem:s2], [sflag:$0x9], $0x2800, $0x38;
	[tilespmem:$0x1C000] =	vst v63  }
0x45: {  	_ =	swait.ge [sflag:s9], $0x2800  }
0x46: {  	[sflag:s9] =	ssyncset.done $0x0  }
0x47: {  	s2 =	sor.u32 @!p0 $0x8000, s30;
	s12 =	simm.s32 @!p0 $0x50;
	[sflag:s9] =	ssyncadd.s32 $0xFFFFD800  }
0x48: {  	[tilespmem:s2], [sflag:s31] =	stream.indirect.gather @!p0 [hbm4b:s1+s12], $0x80, s29, s12, $0xb8;
	[tilespmem:$0x1C000] =	vst v63  }
0x49: {  	s0 =	sadd.s32 @!p0 $0x5, s0;
	s13 =	sadd.s32 $0x1, s26;
	s2 =	sadd.s32 @!p0 $0x12000, s30  }
0x4a: {  	[tilespmem:s2], [sflag:s0] =	stream.indirect.gather @!p0 [hbm4b:s1+s12], $0x80, s25, s12, $0xb8;
	[tilespmem:$0x1C000] =	vst v63  }
0x4b: {  	s29 =	smul.u32 $0x2800, s26;
	_ =	swait.ge [sflag:s13], $0x2800  }
0x4c: {  	[sflag:s13] =	ssyncset.done $0x0  }
0x4d: {  	s30 =	sor.u32 $0x8000, s29;
	[sflag:s13] =	ssyncadd.s32 $0xFFFFD800  }
0x4e: {  	[hbm4b:s24+s3] =	stream.linear.scatter [tilespmem:s30], [sflag:$0x9], $0x2800, $0x38;
	[tilespmem:$0x1C000] =	vst v63  }
0x4f: {  	_ =	swait.ge [sflag:s9], $0x2800  }
0x50: {  	[sflag:s9] =	ssyncset.done $0x0  }
0x51: {  	s31 =	sadd.s32 $0x5, s26;
	[sflag:s9] =	ssyncadd.s32 $0xFFFFD800  }
0x52: {  	s22 =	sadd.s32 $0x1, s22;
	_ =	swait.ge [sflag:s31], $0x2800  }
0x53: {  	p0 =	sne.s32 s22, s6;
	[sflag:s31] =	ssyncset.done $0x0  }
.Ltmp1:
0x54: {  	s0 =	sadd.s32 $0x12000, s29;
	[sflag:s31] =	ssyncadd.s32 $0xFFFFD800;
	(pc) =	sbr.rel @p0 .LBB2_1-.Ltmp1, $4  }
0x55: {  	[hbm4b:s23+s3] =	stream.linear.scatter [tilespmem:s0], [sflag:$0x9], $0x2800, $0x38;
	[tilespmem:$0x1C000] =	vst v63  }
0x56: {  	_ =	swait.ge [sflag:s9], $0x2800  }
0x57: {  	[sflag:s9] =	ssyncset.done $0x0  }
0x58: {  	[sflag:s9] =	ssyncadd.s32 $0xFFFFD800  }
0x59: {  	_ =	sfence.sel $0x180000  }
0x5a: {  	[bflag:$0x0] =	sbarrier.arrive $0xFFFF  }
0x5b: {  	_ =	strace $0x90000047  }
0x5c: {  	s0 =	stileid.u32;
	[bflag:$0x2] =	sbarrier.arrive $0xFFFF  }
0x5d: {  	p0 =	sne.s32 s0, $0x0;
	s0 =	rddreg [dreg:$0x3]  }
0x5e: {  	s0 =	sadd.s32 @!p0 $0x100000, s0  }
0x5f: {  	[sflag:s0] =	ssyncadd.tile.s32 @!p0 $0x1;
	_ =	shalt  }
.Lfunc_end2:
_tile_overlayer_lowered:
.L_overlay_start_2:
0x60: {  	(tag) =	ssettag $0x2  }
0x61: {  	s0 =	rddreg [dreg:$0x0];
	s2 =	stileid.u32  }
0x62: {  	s1 =	rddreg [dreg:$0x1];
	p0 =	sne.s32 s2, $0x0  }
0x63: {  	s3 =	rddreg [dreg:$0x2];
	[bflag:$0x3] =	sbarrier.arrive $0xFFFF;
	s2 =	simm.s32 @!p0 $0x1C09  }
0x64: {  	[timem:s3], [sflag:s2] =	dma.local @!p0 [hbm:s0], s1  }
0x65: {  	s0 =	simm.s32 @!p0 $0x9  }
0x66: {  	_ =	swait.ge @!p0 [sflag:s0], s1  }
0x67: {  	s1 =	ssub.s32 @!p0 $0x0, s1;
	[sflag:s0] =	ssyncset.done @!p0 $0x0  }
0x68: {  	[sflag:s0] =	ssyncadd.s32 @!p0 s1  }
0x69: {  	[bflag:$0x3] =	sbarrier.arrive $0xFFFF  }
0x6a: {  	_ =	shalt  }

</sc_bundles>
